<compile_context>
chip_gen: v7x
topology: tpu7x:2x2x1
jax: 0.10.2.dev20260603
libtpu: 0.0.44.dev20260713+nightly
codegen_flags: <defaults>
</compile_context>

<pallas_src>
import jax
import jax.numpy as jnp
from jax import lax
from jax.experimental import pallas as pl
from jax.experimental.pallas import tpu as pltpu
from jax.experimental.pallas import tpu_sc as plsc

N = 10000
E = 320000
IN_CH = 128
HID = 64

NC = 2
NS = 16
NW = NC * NS
CHUNK = 128
NCH = E // CHUNK
CPT = NCH // NW
TAIL = NCH - NW * CPT
NPAD = 10240
SLICE = NPAD // NS


def _enc_body(x_ref, w_ref, out_ref):
    out_ref[...] = jnp.dot(x_ref[...].astype(jnp.bfloat16),
                           w_ref[...].astype(jnp.bfloat16),
                           preferred_element_type=jnp.float32)


def _sc_body(gidx_ref, sidx_ref, y_ref, out_ref,
             gidx, sidx, rows0, rows1, rows2, rows3, agg,
             sem0, sem1, sem2, sem3):
    c = lax.axis_index("c")
    s = lax.axis_index("s")
    w = s * NC + c
    zv = jnp.zeros((16,), jnp.float32)

    def zrow(i, carry):
        for jj in range(HID // 16):
            rows0[i, pl.ds(jj * 16, 16)] = zv
        return carry

    lax.fori_loop(0, CHUNK, zrow, 0)
    for piece in range(SLICE // CHUNK):
        pltpu.sync_copy(
            rows0, agg.at[pl.ds(s * SLICE + piece * CHUNK, CHUNK)])
    base = CPT * w + jnp.minimum(w, TAIL)
    pltpu.sync_copy(gidx_ref.at[pl.ds(base, CPT)], gidx.at[pl.ds(0, CPT)])
    pltpu.sync_copy(sidx_ref.at[pl.ds(base, CPT)], sidx.at[pl.ds(0, CPT)])

    @pl.when(w < TAIL)
    def _():
        pltpu.sync_copy(gidx_ref.at[pl.ds(base + CPT, 1)],
                        gidx.at[pl.ds(CPT, 1)])
        pltpu.sync_copy(sidx_ref.at[pl.ds(base + CPT, 1)],
                        sidx.at[pl.ds(CPT, 1)])

    plsc.subcore_barrier()

    bufs = ((rows0, sem0), (rows1, sem1), (rows2, sem2), (rows3, sem3))
    pltpu.async_copy(y_ref.at[gidx.at[0]], rows0, sem0)
    pltpu.async_copy(y_ref.at[gidx.at[1]], rows1, sem1)
    pltpu.async_copy(y_ref.at[gidx.at[2]], rows2, sem2)
    last = CPT - 1

    def step(jj, carry):
        j = 4 * jj
        for k in range(4):
            fb, fs = bufs[(k + 3) % 4]
            wb, ws = bufs[k]
            jn = jnp.minimum(j + k + 3, last)
            pltpu.async_copy(y_ref.at[gidx.at[jn]], fb, fs)
            pltpu.make_async_copy(y_ref.at[gidx.at[j]], wb, ws).wait()
            pltpu.sync_copy(wb, agg.at[sidx.at[j + k]], add=True)
        return carry

    lax.fori_loop(0, CPT // 4, step, 0)
    pltpu.make_async_copy(y_ref.at[gidx.at[0]], rows0, sem0).wait()
    pltpu.sync_copy(rows0, agg.at[sidx.at[CPT - 2]], add=True)
    pltpu.make_async_copy(y_ref.at[gidx.at[0]], rows1, sem1).wait()
    pltpu.sync_copy(rows1, agg.at[sidx.at[CPT - 1]], add=True)
    pltpu.make_async_copy(y_ref.at[gidx.at[0]], rows2, sem2).wait()

    @pl.when(w < TAIL)
    def _():
        pltpu.async_copy(y_ref.at[gidx.at[CPT]], rows0, sem0)
        pltpu.make_async_copy(y_ref.at[gidx.at[CPT]], rows0, sem0).wait()
        pltpu.sync_copy(rows0, agg.at[sidx.at[CPT]], add=True)

    plsc.subcore_barrier()
    pltpu.sync_copy(agg.at[pl.ds(s * SLICE, SLICE)],
                    out_ref.at[c, pl.ds(s * SLICE, SLICE)])


_sc_scatter = pl.kernel(
    _sc_body,
    out_type=jax.ShapeDtypeStruct((NC, NPAD, HID), jnp.float32),
    mesh=plsc.VectorSubcoreMesh(core_axis_name="c", subcore_axis_name="s"),
    compiler_params=pltpu.CompilerParams(use_tc_tiling_on_sc=False),
    scratch_types=[
        pltpu.VMEM((CPT + 1, CHUNK), jnp.int32),
        pltpu.VMEM((CPT + 1, CHUNK), jnp.int32),
        pltpu.VMEM((CHUNK, HID), jnp.float32),
        pltpu.VMEM((CHUNK, HID), jnp.float32),
        pltpu.VMEM((CHUNK, HID), jnp.float32),
        pltpu.VMEM((CHUNK, HID), jnp.float32),
        pltpu.VMEM_SHARED((NPAD, HID), jnp.float32),
        pltpu.SemaphoreType.DMA,
        pltpu.SemaphoreType.DMA,
        pltpu.SemaphoreType.DMA,
        pltpu.SemaphoreType.DMA,
    ],
)


def _dec_body(x_ref, p0_ref, p1_ref, wroot_ref, benc_ref,
              wdec_ref, bdec_ref, out_ref):
    agg = p0_ref[0] + p1_ref[0]
    h = (
        jnp.dot(x_ref[...].astype(jnp.bfloat16),
                wroot_ref[...].astype(jnp.bfloat16),
                preferred_element_type=jnp.float32)
        + agg + benc_ref[...]
    )
    h = jnp.maximum(h, 0.0)
    out_ref[...] = (
        jnp.dot(h.astype(jnp.bfloat16), wdec_ref[...].astype(jnp.bfloat16),
                preferred_element_type=jnp.float32)
        + bdec_ref[...]
    )


_ROWS_BLK = 2560


@jax.jit
def _forward(x, edge_index, W_root, W_rel, b_enc, W_dec, b_dec):
    gidx = edge_index[0].astype(jnp.int32).reshape(NCH, CHUNK)
    sidx = edge_index[1].astype(jnp.int32).reshape(NCH, CHUNK)

    y = pl.pallas_call(
        _enc_body,
        grid=(4,),
        in_specs=[
            pl.BlockSpec((NPAD // 4, IN_CH), lambda i: (i, 0)),
            pl.BlockSpec((IN_CH, HID), lambda i: (0, 0)),
        ],
        out_specs=pl.BlockSpec((NPAD // 4, HID), lambda i: (i, 0)),
        out_shape=jax.ShapeDtypeStruct((NPAD, HID), jnp.float32),
    )(x, W_rel)

    parts = _sc_scatter(gidx, sidx, y)

    out = pl.pallas_call(
        _dec_body,
        grid=(NPAD // _ROWS_BLK,),
        in_specs=[
            pl.BlockSpec((_ROWS_BLK, IN_CH), lambda i: (i, 0)),
            pl.BlockSpec((1, _ROWS_BLK, HID), lambda i: (0, i, 0)),
            pl.BlockSpec((1, _ROWS_BLK, HID), lambda i: (1, i, 0)),
            pl.BlockSpec((IN_CH, HID), lambda i: (0, 0)),
            pl.BlockSpec((1, HID), lambda i: (0, 0)),
            pl.BlockSpec((HID, IN_CH), lambda i: (0, 0)),
            pl.BlockSpec((1, IN_CH), lambda i: (0, 0)),
        ],
        out_specs=pl.BlockSpec((_ROWS_BLK, IN_CH), lambda i: (i, 0)),
        out_shape=jax.ShapeDtypeStruct((N, IN_CH), jnp.float32),
    )(x, parts, parts, W_root, b_enc.reshape(1, HID), W_dec,
      b_dec.reshape(1, IN_CH))
    return out


def kernel(x, edge_index, W_root, W_rel, b_enc, W_dec, b_dec):
    return _forward(x, edge_index, W_root, W_rel, b_enc, W_dec, b_dec)

# --- scband reference (transcript-rebuilt; emitter-appended) ---
"""Pipeline reference for scband-graph-mae-5377299054918 (READ-ONLY COPY).

The authoritative reference and input builder live on the scoring server;
editing this copy changes nothing except your own understanding.
"""

import jax, jax.numpy as jnp
import numpy as np

N_NODES = 10000
N_EDGES = 320000
IN_CH = 128
HID_CH = 64


def setup_inputs(seed: int = 0) -> dict:
    key = jax.random.key(seed)
    k_x, k_ei, k_wr, k_wn, k_be, k_wd, k_bd = jax.random.split(key, 7)
    x = jax.random.normal(k_x, (N_NODES, IN_CH), dtype=jnp.float32)
    edge_index = jax.random.randint(k_ei, (2, N_EDGES), 0, N_NODES, dtype=jnp.int64)
    # GraphConv (PyG-style): out = x @ W_root + aggr(x_j) @ W_rel + b
    s_in = 1.0 / np.sqrt(IN_CH)
    W_root = jax.random.uniform(k_wr, (IN_CH, HID_CH), dtype=jnp.float32, minval=-s_in, maxval=s_in)
    W_rel = jax.random.uniform(k_wn, (IN_CH, HID_CH), dtype=jnp.float32, minval=-s_in, maxval=s_in)
    b_enc = jax.random.uniform(k_be, (HID_CH,), dtype=jnp.float32, minval=-s_in, maxval=s_in)
    s_h = 1.0 / np.sqrt(HID_CH)
    W_dec = jax.random.uniform(k_wd, (HID_CH, IN_CH), dtype=jnp.float32, minval=-s_h, maxval=s_h)
    b_dec = jax.random.uniform(k_bd, (IN_CH,), dtype=jnp.float32, minval=-s_h, maxval=s_h)
    return {"x": x, "edge_index": edge_index, "W_root": W_root, "W_rel": W_rel,
            "b_enc": b_enc, "W_dec": W_dec, "b_dec": b_dec}


def reference(x, edge_index, W_root, W_rel, b_enc, W_dec, b_dec):
    src = edge_index[0]
    dst = edge_index[1]
    # message passing: gather source node features, scatter-add to destination
    msgs = jnp.take(x, src, axis=0)                      # [E, IN_CH] gather
    agg = jax.ops.segment_sum(msgs, dst, num_segments=N_NODES)  # [N, IN_CH] scatter-add
    h = x @ W_root + agg @ W_rel + b_enc                 # GraphConv linear transforms
    h = jax.nn.relu(h)
    out = h @ W_dec + b_dec                              # decoder: reconstruct features
    return out

if __name__ == "__main__":
    import jax
    _d = setup_inputs()
    print(jax.jit(kernel)(*tuple(_d.values())))

</pallas_src>

<mosaic_0001>
#map = affine_map<(d0, d1) -> (0, 0)>
#map1 = affine_map<(d0, d1) -> (0, 0, 0)>
module attributes {stable_mosaic.version = 14 : i64} {
  func.func @_sc_body(%arg0: i32, %arg1: i32, %arg2: memref<2500x128xi32, #tpu.memory_space<hbm>>, %arg3: memref<2500x128xi32, #tpu.memory_space<hbm>>, %arg4: memref<10240x64xf32, #tpu.memory_space<hbm>>, %arg5: memref<2x10240x64xf32, #tpu.memory_space<hbm>>, %arg6: memref<79x128xi32, #tpu.memory_space<vmem>>, %arg7: memref<79x128xi32, #tpu.memory_space<vmem>>, %arg8: memref<128x64xf32, #tpu.memory_space<vmem>>, %arg9: memref<128x64xf32, #tpu.memory_space<vmem>>, %arg10: memref<128x64xf32, #tpu.memory_space<vmem>>, %arg11: memref<128x64xf32, #tpu.memory_space<vmem>>, %arg12: memref<10240x64xf32, #tpu.memory_space<vmem_shared>>, %arg13: memref<!tpu.dma_semaphore, #tpu.memory_space<semaphore_mem>>, %arg14: memref<!tpu.dma_semaphore, #tpu.memory_space<semaphore_mem>>, %arg15: memref<!tpu.dma_semaphore, #tpu.memory_space<semaphore_mem>>, %arg16: memref<!tpu.dma_semaphore, #tpu.memory_space<semaphore_mem>>) attributes {dimension_semantics = [#tpu.dimension_semantics<core_parallel>, #tpu.dimension_semantics<subcore_parallel>], iteration_bounds = array<i64: 2, 16>, scalar_prefetch = 0 : i64, scratch_operands = 11 : i64, tpu.core_type = #tpu.core_type<sc_vector_subcore>, window_params = [{transform_indices = #map}, {transform_indices = #map}, {transform_indices = #map}, {transform_indices = #map1}]} {
    %mul3A = arith.constant 2 : i32
    %mul3A_0 = arith.muli %arg1, %mul3A : i32
    %add3A = arith.addi %mul3A_0, %arg0 : i32
    %broadcast_in_dim3A = arith.constant 0.000000e+00 : f32
    %broadcast_in_dim3A_1 = vector.broadcast %broadcast_in_dim3A : f32 to vector<16xf32>
    %scan3A = arith.constant 0 : i32
    %scan3A_2 = arith.constant 0 : i32
    %scan3A_3 = arith.constant 128 : i32
    %scan3A_4 = arith.addi %scan3A_2, %scan3A_3 : i32
    %scan3A_5 = arith.constant 1 : i32
    scf.for %scan3A_90 = %scan3A_2 to %scan3A_4 step %scan3A_5  : i32 {
      %swap3A = arith.index_cast %scan3A_90 : i32 to index
      %swap3A_91 = arith.constant 0 : index
      %swap3A_92 = tpu.vector_load %arg8[%swap3A, %swap3A_91] {strides = array<i32>} : memref<128x64xf32, #tpu.memory_space<vmem>>, vector<1x16xf32>,
      %swap3A_93 = vector.shape_cast %swap3A_92 : vector<1x16xf32> to vector<16xf32>
      %swap3A_94 = vector.shape_cast %broadcast_in_dim3A_1 : vector<16xf32> to vector<1x16xf32>
      tpu.vector_store %arg8[%swap3A, %swap3A_91], %swap3A_94 {strides = array<i32>} : memref<128x64xf32, #tpu.memory_space<vmem>>, vector<1x16xf32>,
      %swap3A_95 = arith.index_cast %scan3A_90 : i32 to index
      %swap3A_96 = arith.constant 16 : index
      %swap3A_97 = tpu.vector_load %arg8[%swap3A_95, %swap3A_96] {strides = array<i32>} : memref<128x64xf32, #tpu.memory_space<vmem>>, vector<1x16xf32>,
      %swap3A_98 = vector.shape_cast %swap3A_97 : vector<1x16xf32> to vector<16xf32>
      %swap3A_99 = vector.shape_cast %broadcast_in_dim3A_1 : vector<16xf32> to vector<1x16xf32>
      tpu.vector_store %arg8[%swap3A_95, %swap3A_96], %swap3A_99 {strides = array<i32>} : memref<128x64xf32, #tpu.memory_space<vmem>>, vector<1x16xf32>,
      %swap3A_100 = arith.index_cast %scan3A_90 : i32 to index
      %swap3A_101 = arith.constant 32 : index
      %swap3A_102 = tpu.vector_load %arg8[%swap3A_100, %swap3A_101] {strides = array<i32>} : memref<128x64xf32, #tpu.memory_space<vmem>>, vector<1x16xf32>,
      %swap3A_103 = vector.shape_cast %swap3A_102 : vector<1x16xf32> to vector<16xf32>
      %swap3A_104 = vector.shape_cast %broadcast_in_dim3A_1 : vector<16xf32> to vector<1x16xf32>
      tpu.vector_store %arg8[%swap3A_100, %swap3A_101], %swap3A_104 {strides = array<i32>} : memref<128x64xf32, #tpu.memory_space<vmem>>, vector<1x16xf32>,
      %swap3A_105 = arith.index_cast %scan3A_90 : i32 to index
      %swap3A_106 = arith.constant 48 : index
      %swap3A_107 = tpu.vector_load %arg8[%swap3A_105, %swap3A_106] {strides = array<i32>} : memref<128x64xf32, #tpu.memory_space<vmem>>, vector<1x16xf32>,
      %swap3A_108 = vector.shape_cast %swap3A_107 : vector<1x16xf32> to vector<16xf32>
      %swap3A_109 = vector.shape_cast %broadcast_in_dim3A_1 : vector<16xf32> to vector<1x16xf32>
      tpu.vector_store %arg8[%swap3A_105, %swap3A_106], %swap3A_109 {strides = array<i32>} : memref<128x64xf32, #tpu.memory_space<vmem>>, vector<1x16xf32>,
    }
    %scan3A_6 = arith.constant 128 : i32
    %mul3A_7 = arith.constant 640 : i32
    %mul3A_8 = arith.muli %arg1, %mul3A_7 : i32
    %add3A_9 = arith.constant 0 : i32
    %add3A_10 = arith.addi %mul3A_8, %add3A_9 : i32
    "tpu.region"() ({
      %run_scoped3A_90 = tpu.sem_alloc : memref<!tpu.dma_semaphore, #tpu.memory_space<semaphore_mem>>
      %dma_start3A_91 = arith.constant 0 : i32
      %dma_start3A_92 = tpu.memref_slice %arg12[%add3A_10, %dma_start3A_91] : memref<10240x64xf32, #tpu.memory_space<vmem_shared>> -> memref<128x64xf32, #tpu.memory_space<vmem_shared>>
      %dma_start3A_93 = arith.constant 0 : i32
      %dma_start3A_94 = tpu.memref_slice %arg12[%add3A_10, %dma_start3A_93] : memref<10240x64xf32, #tpu.memory_space<vmem_shared>> -> memref<128x64xf32, #tpu.memory_space<vmem_shared>>
      tpu.enqueue_dma source(%arg8 : memref<128x64xf32, #tpu.memory_space<vmem>>) target(%dma_start3A_94 : memref<128x64xf32, #tpu.memory_space<vmem_shared>>) target_semaphore(%run_scoped3A_90 : memref<!tpu.dma_semaphore, #tpu.memory_space<semaphore_mem>>)
      %dma_wait3A_95 = arith.constant 0 : i32
      %dma_wait3A_96 = tpu.memref_slice %arg12[%add3A_10, %dma_wait3A_95] : memref<10240x64xf32, #tpu.memory_space<vmem_shared>> -> memref<128x64xf32, #tpu.memory_space<vmem_shared>>
      %dma_wait3A_97 = arith.constant 0 : i32
      %dma_wait3A_98 = tpu.memref_slice %arg12[%add3A_10, %dma_wait3A_97] : memref<10240x64xf32, #tpu.memory_space<vmem_shared>> -> memref<128x64xf32, #tpu.memory_space<vmem_shared>>
      tpu.wait_dma2 semaphore(%run_scoped3A_90 : memref<!tpu.dma_semaphore, #tpu.memory_space<semaphore_mem>>) src(%arg8 : memref<128x64xf32, #tpu.memory_space<vmem>>) dst(%dma_wait3A_98 : memref<128x64xf32, #tpu.memory_space<vmem_shared>>)
      tpu.yield
    }) : () -> ()
    %mul3A_11 = arith.constant 640 : i32
    %mul3A_12 = arith.muli %arg1, %mul3A_11 : i32
    %add3A_13 = arith.constant 128 : i32
    %add3A_14 = arith.addi %mul3A_12, %add3A_13 : i32
    "tpu.region"() ({
      %run_scoped3A_90 = tpu.sem_alloc : memref<!tpu.dma_semaphore, #tpu.memory_space<semaphore_mem>>
      %dma_start3A_91 = arith.constant 0 : i32
      %dma_start3A_92 = tpu.memref_slice %arg12[%add3A_14, %dma_start3A_91] : memref<10240x64xf32, #tpu.memory_space<vmem_shared>> -> memref<128x64xf32, #tpu.memory_space<vmem_shared>>
      %dma_start3A_93 = arith.constant 0 : i32
      %dma_start3A_94 = tpu.memref_slice %arg12[%add3A_14, %dma_start3A_93] : memref<10240x64xf32, #tpu.memory_space<vmem_shared>> -> memref<128x64xf32, #tpu.memory_space<vmem_shared>>
      tpu.enqueue_dma source(%arg8 : memref<128x64xf32, #tpu.memory_space<vmem>>) target(%dma_start3A_94 : memref<128x64xf32, #tpu.memory_space<vmem_shared>>) target_semaphore(%run_scoped3A_90 : memref<!tpu.dma_semaphore, #tpu.memory_space<semaphore_mem>>)
      %dma_wait3A_95 = arith.constant 0 : i32
      %dma_wait3A_96 = tpu.memref_slice %arg12[%add3A_14, %dma_wait3A_95] : memref<10240x64xf32, #tpu.memory_space<vmem_shared>> -> memref<128x64xf32, #tpu.memory_space<vmem_shared>>
      %dma_wait3A_97 = arith.constant 0 : i32
      %dma_wait3A_98 = tpu.memref_slice %arg12[%add3A_14, %dma_wait3A_97] : memref<10240x64xf32, #tpu.memory_space<vmem_shared>> -> memref<128x64xf32, #tpu.memory_space<vmem_shared>>
      tpu.wait_dma2 semaphore(%run_scoped3A_90 : memref<!tpu.dma_semaphore, #tpu.memory_space<semaphore_mem>>) src(%arg8 : memref<128x64xf32, #tpu.memory_space<vmem>>) dst(%dma_wait3A_98 : memref<128x64xf32, #tpu.memory_space<vmem_shared>>)
      tpu.yield
    }) : () -> ()
    %mul3A_15 = arith.constant 640 : i32
    %mul3A_16 = arith.muli %arg1, %mul3A_15 : i32
    %add3A_17 = arith.constant 256 : i32
    %add3A_18 = arith.addi %mul3A_16, %add3A_17 : i32
    "tpu.region"() ({
      %run_scoped3A_90 = tpu.sem_alloc : memref<!tpu.dma_semaphore, #tpu.memory_space<semaphore_mem>>
      %dma_start3A_91 = arith.constant 0 : i32
      %dma_start3A_92 = tpu.memref_slice %arg12[%add3A_18, %dma_start3A_91] : memref<10240x64xf32, #tpu.memory_space<vmem_shared>> -> memref<128x64xf32, #tpu.memory_space<vmem_shared>>
      %dma_start3A_93 = arith.constant 0 : i32
      %dma_start3A_94 = tpu.memref_slice %arg12[%add3A_18, %dma_start3A_93] : memref<10240x64xf32, #tpu.memory_space<vmem_shared>> -> memref<128x64xf32, #tpu.memory_space<vmem_shared>>
      tpu.enqueue_dma source(%arg8 : memref<128x64xf32, #tpu.memory_space<vmem>>) target(%dma_start3A_94 : memref<128x64xf32, #tpu.memory_space<vmem_shared>>) target_semaphore(%run_scoped3A_90 : memref<!tpu.dma_semaphore, #tpu.memory_space<semaphore_mem>>)
      %dma_wait3A_95 = arith.constant 0 : i32
      %dma_wait3A_96 = tpu.memref_slice %arg12[%add3A_18, %dma_wait3A_95] : memref<10240x64xf32, #tpu.memory_space<vmem_shared>> -> memref<128x64xf32, #tpu.memory_space<vmem_shared>>
      %dma_wait3A_97 = arith.constant 0 : i32
      %dma_wait3A_98 = tpu.memref_slice %arg12[%add3A_18, %dma_wait3A_97] : memref<10240x64xf32, #tpu.memory_space<vmem_shared>> -> memref<128x64xf32, #tpu.memory_space<vmem_shared>>
      tpu.wait_dma2 semaphore(%run_scoped3A_90 : memref<!tpu.dma_semaphore, #tpu.memory_space<semaphore_mem>>) src(%arg8 : memref<128x64xf32, #tpu.memory_space<vmem>>) dst(%dma_wait3A_98 : memref<128x64xf32, #tpu.memory_space<vmem_shared>>)
      tpu.yield
    }) : () -> ()
    %mul3A_19 = arith.constant 640 : i32
    %mul3A_20 = arith.muli %arg1, %mul3A_19 : i32
    %add3A_21 = arith.constant 384 : i32
    %add3A_22 = arith.addi %mul3A_20, %add3A_21 : i32
    "tpu.region"() ({
      %run_scoped3A_90 = tpu.sem_alloc : memref<!tpu.dma_semaphore, #tpu.memory_space<semaphore_mem>>
      %dma_start3A_91 = arith.constant 0 : i32
      %dma_start3A_92 = tpu.memref_slice %arg12[%add3A_22, %dma_start3A_91] : memref<10240x64xf32, #tpu.memory_space<vmem_shared>> -> memref<128x64xf32, #tpu.memory_space<vmem_shared>>
      %dma_start3A_93 = arith.constant 0 : i32
      %dma_start3A_94 = tpu.memref_slice %arg12[%add3A_22, %dma_start3A_93] : memref<10240x64xf32, #tpu.memory_space<vmem_shared>> -> memref<128x64xf32, #tpu.memory_space<vmem_shared>>
      tpu.enqueue_dma source(%arg8 : memref<128x64xf32, #tpu.memory_space<vmem>>) target(%dma_start3A_94 : memref<128x64xf32, #tpu.memory_space<vmem_shared>>) target_semaphore(%run_scoped3A_90 : memref<!tpu.dma_semaphore, #tpu.memory_space<semaphore_mem>>)
      %dma_wait3A_95 = arith.constant 0 : i32
      %dma_wait3A_96 = tpu.memref_slice %arg12[%add3A_22, %dma_wait3A_95] : memref<10240x64xf32, #tpu.memory_space<vmem_shared>> -> memref<128x64xf32, #tpu.memory_space<vmem_shared>>
      %dma_wait3A_97 = arith.constant 0 : i32
      %dma_wait3A_98 = tpu.memref_slice %arg12[%add3A_22, %dma_wait3A_97] : memref<10240x64xf32, #tpu.memory_space<vmem_shared>> -> memref<128x64xf32, #tpu.memory_space<vmem_shared>>
      tpu.wait_dma2 semaphore(%run_scoped3A_90 : memref<!tpu.dma_semaphore, #tpu.memory_space<semaphore_mem>>) src(%arg8 : memref<128x64xf32, #tpu.memory_space<vmem>>) dst(%dma_wait3A_98 : memref<128x64xf32, #tpu.memory_space<vmem_shared>>)
      tpu.yield
    }) : () -> ()
    %mul3A_23 = arith.constant 640 : i32
    %mul3A_24 = arith.muli %arg1, %mul3A_23 : i32
    %add3A_25 = arith.constant 512 : i32
    %add3A_26 = arith.addi %mul3A_24, %add3A_25 : i32
    "tpu.region"() ({
      %run_scoped3A_90 = tpu.sem_alloc : memref<!tpu.dma_semaphore, #tpu.memory_space<semaphore_mem>>
      %dma_start3A_91 = arith.constant 0 : i32
      %dma_start3A_92 = tpu.memref_slice %arg12[%add3A_26, %dma_start3A_91] : memref<10240x64xf32, #tpu.memory_space<vmem_shared>> -> memref<128x64xf32, #tpu.memory_space<vmem_shared>>
      %dma_start3A_93 = arith.constant 0 : i32
      %dma_start3A_94 = tpu.memref_slice %arg12[%add3A_26, %dma_start3A_93] : memref<10240x64xf32, #tpu.memory_space<vmem_shared>> -> memref<128x64xf32, #tpu.memory_space<vmem_shared>>
      tpu.enqueue_dma source(%arg8 : memref<128x64xf32, #tpu.memory_space<vmem>>) target(%dma_start3A_94 : memref<128x64xf32, #tpu.memory_space<vmem_shared>>) target_semaphore(%run_scoped3A_90 : memref<!tpu.dma_semaphore, #tpu.memory_space<semaphore_mem>>)
      %dma_wait3A_95 = arith.constant 0 : i32
      %dma_wait3A_96 = tpu.memref_slice %arg12[%add3A_26, %dma_wait3A_95] : memref<10240x64xf32, #tpu.memory_space<vmem_shared>> -> memref<128x64xf32, #tpu.memory_space<vmem_shared>>
      %dma_wait3A_97 = arith.constant 0 : i32
      %dma_wait3A_98 = tpu.memref_slice %arg12[%add3A_26, %dma_wait3A_97] : memref<10240x64xf32, #tpu.memory_space<vmem_shared>> -> memref<128x64xf32, #tpu.memory_space<vmem_shared>>
      tpu.wait_dma2 semaphore(%run_scoped3A_90 : memref<!tpu.dma_semaphore, #tpu.memory_space<semaphore_mem>>) src(%arg8 : memref<128x64xf32, #tpu.memory_space<vmem>>) dst(%dma_wait3A_98 : memref<128x64xf32, #tpu.memory_space<vmem_shared>>)
      tpu.yield
    }) : () -> ()
    %mul3A_27 = arith.constant 78 : i32
    %mul3A_28 = arith.muli %mul3A_27, %add3A : i32
    %min3A = arith.constant 4 : i32
    %min3A_29 = arith.minsi %add3A, %min3A : i32
    %add3A_30 = arith.addi %mul3A_28, %min3A_29 : i32
    "tpu.region"() ({
      %run_scoped3A_90 = tpu.sem_alloc : memref<!tpu.dma_semaphore, #tpu.memory_space<semaphore_mem>>
      %dma_start3A_91 = arith.constant 0 : i32
      %dma_start3A_92 = arith.constant 0 : i32
      %dma_start3A_93 = tpu.memref_slice %arg6[%dma_start3A_91, %dma_start3A_92] : memref<79x128xi32, #tpu.memory_space<vmem>> -> memref<78x128xi32, #tpu.memory_space<vmem>>
      %dma_start3A_94 = arith.constant 0 : i32
      %dma_start3A_95 = tpu.memref_slice %arg2[%add3A_30, %dma_start3A_94] : memref<2500x128xi32, #tpu.memory_space<hbm>> -> memref<78x128xi32, #tpu.memory_space<hbm>>
      %dma_start3A_96 = arith.constant 0 : i32
      %dma_start3A_97 = arith.constant 0 : i32
      %dma_start3A_98 = tpu.memref_slice %arg6[%dma_start3A_96, %dma_start3A_97] : memref<79x128xi32, #tpu.memory_space<vmem>> -> memref<78x128xi32, #tpu.memory_space<vmem>>
      %dma_start3A_99 = arith.constant 0 : i32
      %dma_start3A_100 = tpu.memref_slice %arg2[%add3A_30, %dma_start3A_99] : memref<2500x128xi32, #tpu.memory_space<hbm>> -> memref<78x128xi32, #tpu.memory_space<hbm>>
      tpu.enqueue_dma source(%dma_start3A_100 : memref<78x128xi32, #tpu.memory_space<hbm>>) target(%dma_start3A_98 : memref<78x128xi32, #tpu.memory_space<vmem>>) target_semaphore(%run_scoped3A_90 : memref<!tpu.dma_semaphore, #tpu.memory_space<semaphore_mem>>)
      %dma_wait3A_101 = arith.constant 0 : i32
      %dma_wait3A_102 = arith.constant 0 : i32
      %dma_wait3A_103 = tpu.memref_slice %arg6[%dma_wait3A_101, %dma_wait3A_102] : memref<79x128xi32, #tpu.memory_space<vmem>> -> memref<78x128xi32, #tpu.memory_space<vmem>>
      %dma_wait3A_104 = arith.constant 0 : i32
      %dma_wait3A_105 = tpu.memref_slice %arg2[%add3A_30, %dma_wait3A_104] : memref<2500x128xi32, #tpu.memory_space<hbm>> -> memref<78x128xi32, #tpu.memory_space<hbm>>
      %dma_wait3A_106 = arith.constant 0 : i32
      %dma_wait3A_107 = arith.constant 0 : i32
      %dma_wait3A_108 = tpu.memref_slice %arg6[%dma_wait3A_106, %dma_wait3A_107] : memref<79x128xi32, #tpu.memory_space<vmem>> -> memref<78x128xi32, #tpu.memory_space<vmem>>
      %dma_wait3A_109 = arith.constant 0 : i32
      %dma_wait3A_110 = tpu.memref_slice %arg2[%add3A_30, %dma_wait3A_109] : memref<2500x128xi32, #tpu.memory_space<hbm>> -> memref<78x128xi32, #tpu.memory_space<hbm>>
      tpu.wait_dma2 semaphore(%run_scoped3A_90 : memref<!tpu.dma_semaphore, #tpu.memory_space<semaphore_mem>>) src(%dma_wait3A_110 : memref<78x128xi32, #tpu.memory_space<hbm>>) dst(%dma_wait3A_108 : memref<78x128xi32, #tpu.memory_space<vmem>>)
      tpu.yield
    }) : () -> ()
    "tpu.region"() ({
      %run_scoped3A_90 = tpu.sem_alloc : memref<!tpu.dma_semaphore, #tpu.memory_space<semaphore_mem>>
      %dma_start3A_91 = arith.constant 0 : i32
      %dma_start3A_92 = arith.constant 0 : i32
      %dma_start3A_93 = tpu.memref_slice %arg7[%dma_start3A_91, %dma_start3A_92] : memref<79x128xi32, #tpu.memory_space<vmem>> -> memref<78x128xi32, #tpu.memory_space<vmem>>
      %dma_start3A_94 = arith.constant 0 : i32
      %dma_start3A_95 = tpu.memref_slice %arg3[%add3A_30, %dma_start3A_94] : memref<2500x128xi32, #tpu.memory_space<hbm>> -> memref<78x128xi32, #tpu.memory_space<hbm>>
      %dma_start3A_96 = arith.constant 0 : i32
      %dma_start3A_97 = arith.constant 0 : i32
      %dma_start3A_98 = tpu.memref_slice %arg7[%dma_start3A_96, %dma_start3A_97] : memref<79x128xi32, #tpu.memory_space<vmem>> -> memref<78x128xi32, #tpu.memory_space<vmem>>
      %dma_start3A_99 = arith.constant 0 : i32
      %dma_start3A_100 = tpu.memref_slice %arg3[%add3A_30, %dma_start3A_99] : memref<2500x128xi32, #tpu.memory_space<hbm>> -> memref<78x128xi32, #tpu.memory_space<hbm>>
      tpu.enqueue_dma source(%dma_start3A_100 : memref<78x128xi32, #tpu.memory_space<hbm>>) target(%dma_start3A_98 : memref<78x128xi32, #tpu.memory_space<vmem>>) target_semaphore(%run_scoped3A_90 : memref<!tpu.dma_semaphore, #tpu.memory_space<semaphore_mem>>)
      %dma_wait3A_101 = arith.constant 0 : i32
      %dma_wait3A_102 = arith.constant 0 : i32
      %dma_wait3A_103 = tpu.memref_slice %arg7[%dma_wait3A_101, %dma_wait3A_102] : memref<79x128xi32, #tpu.memory_space<vmem>> -> memref<78x128xi32, #tpu.memory_space<vmem>>
      %dma_wait3A_104 = arith.constant 0 : i32
      %dma_wait3A_105 = tpu.memref_slice %arg3[%add3A_30, %dma_wait3A_104] : memref<2500x128xi32, #tpu.memory_space<hbm>> -> memref<78x128xi32, #tpu.memory_space<hbm>>
      %dma_wait3A_106 = arith.constant 0 : i32
      %dma_wait3A_107 = arith.constant 0 : i32
      %dma_wait3A_108 = tpu.memref_slice %arg7[%dma_wait3A_106, %dma_wait3A_107] : memref<79x128xi32, #tpu.memory_space<vmem>> -> memref<78x128xi32, #tpu.memory_space<vmem>>
      %dma_wait3A_109 = arith.constant 0 : i32
      %dma_wait3A_110 = tpu.memref_slice %arg3[%add3A_30, %dma_wait3A_109] : memref<2500x128xi32, #tpu.memory_space<hbm>> -> memref<78x128xi32, #tpu.memory_space<hbm>>
      tpu.wait_dma2 semaphore(%run_scoped3A_90 : memref<!tpu.dma_semaphore, #tpu.memory_space<semaphore_mem>>) src(%dma_wait3A_110 : memref<78x128xi32, #tpu.memory_space<hbm>>) dst(%dma_wait3A_108 : memref<78x128xi32, #tpu.memory_space<vmem>>)
      tpu.yield
    }) : () -> ()
    %lt3A = arith.constant 4 : i32
    %lt3A_31 = arith.cmpi slt, %add3A, %lt3A : i32
    %convert_element_type3A = arith.extui %lt3A_31 : i1 to i32
    %cond3A = arith.constant 0 : i32
    %cond3A_32 = arith.cmpi ne, %convert_element_type3A, %cond3A : i32
    scf.if %cond3A_32 {
      %add3A_90 = arith.constant 78 : i32
      %add3A_91 = arith.addi %add3A_30, %add3A_90 : i32
      "tpu.region"() ({
        %run_scoped3A_94 = tpu.sem_alloc : memref<!tpu.dma_semaphore, #tpu.memory_space<semaphore_mem>>
        %dma_start3A_95 = arith.constant 78 : i32
        %dma_start3A_96 = arith.constant 0 : i32
        %dma_start3A_97 = tpu.memref_slice %arg6[%dma_start3A_95, %dma_start3A_96] : memref<79x128xi32, #tpu.memory_space<vmem>> -> memref<1x128xi32, #tpu.memory_space<vmem>>
        %dma_start3A_98 = arith.constant 0 : i32
        %dma_start3A_99 = tpu.memref_slice %arg2[%add3A_91, %dma_start3A_98] : memref<2500x128xi32, #tpu.memory_space<hbm>> -> memref<1x128xi32, #tpu.memory_space<hbm>>
        %dma_start3A_100 = arith.constant 78 : i32
        %dma_start3A_101 = arith.constant 0 : i32
        %dma_start3A_102 = tpu.memref_slice %arg6[%dma_start3A_100, %dma_start3A_101] : memref<79x128xi32, #tpu.memory_space<vmem>> -> memref<1x128xi32, #tpu.memory_space<vmem>>
        %dma_start3A_103 = arith.constant 0 : i32
        %dma_start3A_104 = tpu.memref_slice %arg2[%add3A_91, %dma_start3A_103] : memref<2500x128xi32, #tpu.memory_space<hbm>> -> memref<1x128xi32, #tpu.memory_space<hbm>>
        tpu.enqueue_dma source(%dma_start3A_104 : memref<1x128xi32, #tpu.memory_space<hbm>>) target(%dma_start3A_102 : memref<1x128xi32, #tpu.memory_space<vmem>>) target_semaphore(%run_scoped3A_94 : memref<!tpu.dma_semaphore, #tpu.memory_space<semaphore_mem>>)
        %dma_wait3A_105 = arith.constant 78 : i32
        %dma_wait3A_106 = arith.constant 0 : i32
        %dma_wait3A_107 = tpu.memref_slice %arg6[%dma_wait3A_105, %dma_wait3A_106] : memref<79x128xi32, #tpu.memory_space<vmem>> -> memref<1x128xi32, #tpu.memory_space<vmem>>
        %dma_wait3A_108 = arith.constant 0 : i32
        %dma_wait3A_109 = tpu.memref_slice %arg2[%add3A_91, %dma_wait3A_108] : memref<2500x128xi32, #tpu.memory_space<hbm>> -> memref<1x128xi32, #tpu.memory_space<hbm>>
        %dma_wait3A_110 = arith.constant 78 : i32
        %dma_wait3A_111 = arith.constant 0 : i32
        %dma_wait3A_112 = tpu.memref_slice %arg6[%dma_wait3A_110, %dma_wait3A_111] : memref<79x128xi32, #tpu.memory_space<vmem>> -> memref<1x128xi32, #tpu.memory_space<vmem>>
        %dma_wait3A_113 = arith.constant 0 : i32
        %dma_wait3A_114 = tpu.memref_slice %arg2[%add3A_91, %dma_wait3A_113] : memref<2500x128xi32, #tpu.memory_space<hbm>> -> memref<1x128xi32, #tpu.memory_space<hbm>>
        tpu.wait_dma2 semaphore(%run_scoped3A_94 : memref<!tpu.dma_semaphore, #tpu.memory_space<semaphore_mem>>) src(%dma_wait3A_114 : memref<1x128xi32, #tpu.memory_space<hbm>>) dst(%dma_wait3A_112 : memref<1x128xi32, #tpu.memory_space<vmem>>)
        tpu.yield
      }) : () -> ()
      %add3A_92 = arith.constant 78 : i32
      %add3A_93 = arith.addi %add3A_30, %add3A_92 : i32
      "tpu.region"() ({
        %run_scoped3A_94 = tpu.sem_alloc : memref<!tpu.dma_semaphore, #tpu.memory_space<semaphore_mem>>
        %dma_start3A_95 = arith.constant 78 : i32
        %dma_start3A_96 = arith.constant 0 : i32
        %dma_start3A_97 = tpu.memref_slice %arg7[%dma_start3A_95, %dma_start3A_96] : memref<79x128xi32, #tpu.memory_space<vmem>> -> memref<1x128xi32, #tpu.memory_space<vmem>>
        %dma_start3A_98 = arith.constant 0 : i32
        %dma_start3A_99 = tpu.memref_slice %arg3[%add3A_93, %dma_start3A_98] : memref<2500x128xi32, #tpu.memory_space<hbm>> -> memref<1x128xi32, #tpu.memory_space<hbm>>
        %dma_start3A_100 = arith.constant 78 : i32
        %dma_start3A_101 = arith.constant 0 : i32
        %dma_start3A_102 = tpu.memref_slice %arg7[%dma_start3A_100, %dma_start3A_101] : memref<79x128xi32, #tpu.memory_space<vmem>> -> memref<1x128xi32, #tpu.memory_space<vmem>>
        %dma_start3A_103 = arith.constant 0 : i32
        %dma_start3A_104 = tpu.memref_slice %arg3[%add3A_93, %dma_start3A_103] : memref<2500x128xi32, #tpu.memory_space<hbm>> -> memref<1x128xi32, #tpu.memory_space<hbm>>
        tpu.enqueue_dma source(%dma_start3A_104 : memref<1x128xi32, #tpu.memory_space<hbm>>) target(%dma_start3A_102 : memref<1x128xi32, #tpu.memory_space<vmem>>) target_semaphore(%run_scoped3A_94 : memref<!tpu.dma_semaphore, #tpu.memory_space<semaphore_mem>>)
        %dma_wait3A_105 = arith.constant 78 : i32
        %dma_wait3A_106 = arith.constant 0 : i32
        %dma_wait3A_107 = tpu.memref_slice %arg7[%dma_wait3A_105, %dma_wait3A_106] : memref<79x128xi32, #tpu.memory_space<vmem>> -> memref<1x128xi32, #tpu.memory_space<vmem>>
        %dma_wait3A_108 = arith.constant 0 : i32
        %dma_wait3A_109 = tpu.memref_slice %arg3[%add3A_93, %dma_wait3A_108] : memref<2500x128xi32, #tpu.memory_space<hbm>> -> memref<1x128xi32, #tpu.memory_space<hbm>>
        %dma_wait3A_110 = arith.constant 78 : i32
        %dma_wait3A_111 = arith.constant 0 : i32
        %dma_wait3A_112 = tpu.memref_slice %arg7[%dma_wait3A_110, %dma_wait3A_111] : memref<79x128xi32, #tpu.memory_space<vmem>> -> memref<1x128xi32, #tpu.memory_space<vmem>>
        %dma_wait3A_113 = arith.constant 0 : i32
        %dma_wait3A_114 = tpu.memref_slice %arg3[%add3A_93, %dma_wait3A_113] : memref<2500x128xi32, #tpu.memory_space<hbm>> -> memref<1x128xi32, #tpu.memory_space<hbm>>
        tpu.wait_dma2 semaphore(%run_scoped3A_94 : memref<!tpu.dma_semaphore, #tpu.memory_space<semaphore_mem>>) src(%dma_wait3A_114 : memref<1x128xi32, #tpu.memory_space<hbm>>) dst(%dma_wait3A_112 : memref<1x128xi32, #tpu.memory_space<vmem>>)
        tpu.yield
      }) : () -> ()
    } else {
    }
    %barrier3A = arith.constant 0 : index
    tpu.barrier barrier_id(%barrier3A)
    %dma_start3A = arith.constant 0 : i32
    %dma_start3A_33 = arith.constant 0 : i32
    %dma_start3A_34 = tpu.memref_slice %arg6[%dma_start3A, %dma_start3A_33] : memref<79x128xi32, #tpu.memory_space<vmem>> -> memref<1x128xi32, #tpu.memory_space<vmem>>
    %dma_start3A_35 = tpu.memref_squeeze %dma_start3A_34 : memref<1x128xi32, #tpu.memory_space<vmem>> -> memref<128xi32, #tpu.memory_space<vmem>>
    %dma_start3A_36 = arith.constant 0 : i32
    %dma_start3A_37 = arith.constant 0 : i32
    %dma_start3A_38 = tpu.memref_slice %arg4[%dma_start3A_36, %dma_start3A_37] : memref<10240x64xf32, #tpu.memory_space<hbm>> -> memref<10240x64xf32, #tpu.memory_space<hbm>>
    tpu.enqueue_indirect_dma source(%dma_start3A_38 : memref<10240x64xf32, #tpu.memory_space<hbm>>) target(%arg8 : memref<128x64xf32, #tpu.memory_space<vmem>>) offsets(%dma_start3A_35 : memref<128xi32, #tpu.memory_space<vmem>>) semaphore(%arg13 : memref<!tpu.dma_semaphore, #tpu.memory_space<semaphore_mem>>)
    %dma_start3A_39 = arith.constant 1 : i32
    %dma_start3A_40 = arith.constant 0 : i32
    %dma_start3A_41 = tpu.memref_slice %arg6[%dma_start3A_39, %dma_start3A_40] : memref<79x128xi32, #tpu.memory_space<vmem>> -> memref<1x128xi32, #tpu.memory_space<vmem>>
    %dma_start3A_42 = tpu.memref_squeeze %dma_start3A_41 : memref<1x128xi32, #tpu.memory_space<vmem>> -> memref<128xi32, #tpu.memory_space<vmem>>
    %dma_start3A_43 = arith.constant 0 : i32
    %dma_start3A_44 = arith.constant 0 : i32
    %dma_start3A_45 = tpu.memref_slice %arg4[%dma_start3A_43, %dma_start3A_44] : memref<10240x64xf32, #tpu.memory_space<hbm>> -> memref<10240x64xf32, #tpu.memory_space<hbm>>
    tpu.enqueue_indirect_dma source(%dma_start3A_45 : memref<10240x64xf32, #tpu.memory_space<hbm>>) target(%arg9 : memref<128x64xf32, #tpu.memory_space<vmem>>) offsets(%dma_start3A_42 : memref<128xi32, #tpu.memory_space<vmem>>) semaphore(%arg14 : memref<!tpu.dma_semaphore, #tpu.memory_space<semaphore_mem>>)
    %dma_start3A_46 = arith.constant 2 : i32
    %dma_start3A_47 = arith.constant 0 : i32
    %dma_start3A_48 = tpu.memref_slice %arg6[%dma_start3A_46, %dma_start3A_47] : memref<79x128xi32, #tpu.memory_space<vmem>> -> memref<1x128xi32, #tpu.memory_space<vmem>>
    %dma_start3A_49 = tpu.memref_squeeze %dma_start3A_48 : memref<1x128xi32, #tpu.memory_space<vmem>> -> memref<128xi32, #tpu.memory_space<vmem>>
    %dma_start3A_50 = arith.constant 0 : i32
    %dma_start3A_51 = arith.constant 0 : i32
    %dma_start3A_52 = tpu.memref_slice %arg4[%dma_start3A_50, %dma_start3A_51] : memref<10240x64xf32, #tpu.memory_space<hbm>> -> memref<10240x64xf32, #tpu.memory_space<hbm>>
    tpu.enqueue_indirect_dma source(%dma_start3A_52 : memref<10240x64xf32, #tpu.memory_space<hbm>>) target(%arg10 : memref<128x64xf32, #tpu.memory_space<vmem>>) offsets(%dma_start3A_49 : memref<128xi32, #tpu.memory_space<vmem>>) semaphore(%arg15 : memref<!tpu.dma_semaphore, #tpu.memory_space<semaphore_mem>>)
    %scan3A_53 = arith.constant 0 : i32
    %scan3A_54 = arith.constant 0 : i32
    %scan3A_55 = arith.constant 19 : i32
    %scan3A_56 = arith.addi %scan3A_54, %scan3A_55 : i32
    %scan3A_57 = arith.constant 1 : i32
    scf.for %scan3A_90 = %scan3A_54 to %scan3A_56 step %scan3A_57  : i32 {
      %mul3A_91 = arith.constant 4 : i32
      %mul3A_92 = arith.muli %mul3A_91, %scan3A_90 : i32
      %add3A_93 = arith.constant 0 : i32
      %add3A_94 = arith.addi %mul3A_92, %add3A_93 : i32
      %add3A_95 = arith.constant 3 : i32
      %add3A_96 = arith.addi %add3A_94, %add3A_95 : i32
      %min3A_97 = arith.constant 77 : i32
      %min3A_98 = arith.minsi %add3A_96, %min3A_97 : i32
      %dma_start3A_99 = arith.constant 0 : i32
      %dma_start3A_100 = tpu.memref_slice %arg6[%min3A_98, %dma_start3A_99] : memref<79x128xi32, #tpu.memory_space<vmem>> -> memref<1x128xi32, #tpu.memory_space<vmem>>
      %dma_start3A_101 = tpu.memref_squeeze %dma_start3A_100 : memref<1x128xi32, #tpu.memory_space<vmem>> -> memref<128xi32, #tpu.memory_space<vmem>>
      %dma_start3A_102 = arith.constant 0 : i32
      %dma_start3A_103 = arith.constant 0 : i32
      %dma_start3A_104 = tpu.memref_slice %arg4[%dma_start3A_102, %dma_start3A_103] : memref<10240x64xf32, #tpu.memory_space<hbm>> -> memref<10240x64xf32, #tpu.memory_space<hbm>>
      tpu.enqueue_indirect_dma source(%dma_start3A_104 : memref<10240x64xf32, #tpu.memory_space<hbm>>) target(%arg11 : memref<128x64xf32, #tpu.memory_space<vmem>>) offsets(%dma_start3A_101 : memref<128xi32, #tpu.memory_space<vmem>>) semaphore(%arg16 : memref<!tpu.dma_semaphore, #tpu.memory_space<semaphore_mem>>)
      %dma_wait3A_105 = arith.constant 0 : i32
      %dma_wait3A_106 = tpu.memref_slice %arg6[%mul3A_92, %dma_wait3A_105] : memref<79x128xi32, #tpu.memory_space<vmem>> -> memref<1x128xi32, #tpu.memory_space<vmem>>
      %dma_wait3A_107 = tpu.memref_squeeze %dma_wait3A_106 : memref<1x128xi32, #tpu.memory_space<vmem>> -> memref<128xi32, #tpu.memory_space<vmem>>
      %dma_wait3A_108 = arith.constant 0 : i32
      %dma_wait3A_109 = arith.constant 0 : i32
      %dma_wait3A_110 = tpu.memref_slice %arg4[%dma_wait3A_108, %dma_wait3A_109] : memref<10240x64xf32, #tpu.memory_space<hbm>> -> memref<10240x64xf32, #tpu.memory_space<hbm>>
      tpu.wait_indirect_dma semaphore(%arg13 : memref<!tpu.dma_semaphore, #tpu.memory_space<semaphore_mem>>) src(%dma_wait3A_110 : memref<10240x64xf32, #tpu.memory_space<hbm>>) dst(%arg8 : memref<128x64xf32, #tpu.memory_space<vmem>>)
      %add3A_111 = arith.constant 0 : i32
      %add3A_112 = arith.addi %mul3A_92, %add3A_111 : i32
      "tpu.region"() ({
        %run_scoped3A_173 = tpu.sem_alloc : memref<!tpu.dma_semaphore, #tpu.memory_space<semaphore_mem>>
        %dma_start3A_174 = arith.constant 0 : i32
        %dma_start3A_175 = tpu.memref_slice %arg7[%add3A_112, %dma_start3A_174] : memref<79x128xi32, #tpu.memory_space<vmem>> -> memref<1x128xi32, #tpu.memory_space<vmem>>
        %dma_start3A_176 = tpu.memref_squeeze %dma_start3A_175 : memref<1x128xi32, #tpu.memory_space<vmem>> -> memref<128xi32, #tpu.memory_space<vmem>>
        %dma_start3A_177 = arith.constant 0 : i32
        %dma_start3A_178 = arith.constant 0 : i32
        %dma_start3A_179 = tpu.memref_slice %arg12[%dma_start3A_177, %dma_start3A_178] : memref<10240x64xf32, #tpu.memory_space<vmem_shared>> -> memref<10240x64xf32, #tpu.memory_space<vmem_shared>>
        tpu.enqueue_indirect_dma source(%arg8 : memref<128x64xf32, #tpu.memory_space<vmem>>) target(%dma_start3A_179 : memref<10240x64xf32, #tpu.memory_space<vmem_shared>>) offsets(%dma_start3A_176 : memref<128xi32, #tpu.memory_space<vmem>>) semaphore(%run_scoped3A_173 : memref<!tpu.dma_semaphore, #tpu.memory_space<semaphore_mem>>) {add = true}
        %dma_wait3A_180 = arith.constant 0 : i32
        %dma_wait3A_181 = tpu.memref_slice %arg7[%add3A_112, %dma_wait3A_180] : memref<79x128xi32, #tpu.memory_space<vmem>> -> memref<1x128xi32, #tpu.memory_space<vmem>>
        %dma_wait3A_182 = tpu.memref_squeeze %dma_wait3A_181 : memref<1x128xi32, #tpu.memory_space<vmem>> -> memref<128xi32, #tpu.memory_space<vmem>>
        %dma_wait3A_183 = arith.constant 0 : i32
        %dma_wait3A_184 = arith.constant 0 : i32
        %dma_wait3A_185 = tpu.memref_slice %arg12[%dma_wait3A_183, %dma_wait3A_184] : memref<10240x64xf32, #tpu.memory_space<vmem_shared>> -> memref<10240x64xf32, #tpu.memory_space<vmem_shared>>
        tpu.wait_indirect_dma semaphore(%run_scoped3A_173 : memref<!tpu.dma_semaphore, #tpu.memory_space<semaphore_mem>>) src(%arg8 : memref<128x64xf32, #tpu.memory_space<vmem>>) dst(%dma_wait3A_185 : memref<10240x64xf32, #tpu.memory_space<vmem_shared>>)
        tpu.yield
      }) : () -> ()
      %add3A_113 = arith.constant 1 : i32
      %add3A_114 = arith.addi %mul3A_92, %add3A_113 : i32
      %add3A_115 = arith.constant 3 : i32
      %add3A_116 = arith.addi %add3A_114, %add3A_115 : i32
      %min3A_117 = arith.constant 77 : i32
      %min3A_118 = arith.minsi %add3A_116, %min3A_117 : i32
      %dma_start3A_119 = arith.constant 0 : i32
      %dma_start3A_120 = tpu.memref_slice %arg6[%min3A_118, %dma_start3A_119] : memref<79x128xi32, #tpu.memory_space<vmem>> -> memref<1x128xi32, #tpu.memory_space<vmem>>
      %dma_start3A_121 = tpu.memref_squeeze %dma_start3A_120 : memref<1x128xi32, #tpu.memory_space<vmem>> -> memref<128xi32, #tpu.memory_space<vmem>>
      %dma_start3A_122 = arith.constant 0 : i32
      %dma_start3A_123 = arith.constant 0 : i32
      %dma_start3A_124 = tpu.memref_slice %arg4[%dma_start3A_122, %dma_start3A_123] : memref<10240x64xf32, #tpu.memory_space<hbm>> -> memref<10240x64xf32, #tpu.memory_space<hbm>>
      tpu.enqueue_indirect_dma source(%dma_start3A_124 : memref<10240x64xf32, #tpu.memory_space<hbm>>) target(%arg8 : memref<128x64xf32, #tpu.memory_space<vmem>>) offsets(%dma_start3A_121 : memref<128xi32, #tpu.memory_space<vmem>>) semaphore(%arg13 : memref<!tpu.dma_semaphore, #tpu.memory_space<semaphore_mem>>)
      %dma_wait3A_125 = arith.constant 0 : i32
      %dma_wait3A_126 = tpu.memref_slice %arg6[%mul3A_92, %dma_wait3A_125] : memref<79x128xi32, #tpu.memory_space<vmem>> -> memref<1x128xi32, #tpu.memory_space<vmem>>
      %dma_wait3A_127 = tpu.memref_squeeze %dma_wait3A_126 : memref<1x128xi32, #tpu.memory_space<vmem>> -> memref<128xi32, #tpu.memory_space<vmem>>
      %dma_wait3A_128 = arith.constant 0 : i32
      %dma_wait3A_129 = arith.constant 0 : i32
      %dma_wait3A_130 = tpu.memref_slice %arg4[%dma_wait3A_128, %dma_wait3A_129] : memref<10240x64xf32, #tpu.memory_space<hbm>> -> memref<10240x64xf32, #tpu.memory_space<hbm>>
      tpu.wait_indirect_dma semaphore(%arg14 : memref<!tpu.dma_semaphore, #tpu.memory_space<semaphore_mem>>) src(%dma_wait3A_130 : memref<10240x64xf32, #tpu.memory_space<hbm>>) dst(%arg9 : memref<128x64xf32, #tpu.memory_space<vmem>>)
      %add3A_131 = arith.constant 1 : i32
      %add3A_132 = arith.addi %mul3A_92, %add3A_131 : i32
      "tpu.region"() ({
        %run_scoped3A_173 = tpu.sem_alloc : memref<!tpu.dma_semaphore, #tpu.memory_space<semaphore_mem>>
        %dma_start3A_174 = arith.constant 0 : i32
        %dma_start3A_175 = tpu.memref_slice %arg7[%add3A_132, %dma_start3A_174] : memref<79x128xi32, #tpu.memory_space<vmem>> -> memref<1x128xi32, #tpu.memory_space<vmem>>
        %dma_start3A_176 = tpu.memref_squeeze %dma_start3A_175 : memref<1x128xi32, #tpu.memory_space<vmem>> -> memref<128xi32, #tpu.memory_space<vmem>>
        %dma_start3A_177 = arith.constant 0 : i32
        %dma_start3A_178 = arith.constant 0 : i32
        %dma_start3A_179 = tpu.memref_slice %arg12[%dma_start3A_177, %dma_start3A_178] : memref<10240x64xf32, #tpu.memory_space<vmem_shared>> -> memref<10240x64xf32, #tpu.memory_space<vmem_shared>>
        tpu.enqueue_indirect_dma source(%arg9 : memref<128x64xf32, #tpu.memory_space<vmem>>) target(%dma_start3A_179 : memref<10240x64xf32, #tpu.memory_space<vmem_shared>>) offsets(%dma_start3A_176 : memref<128xi32, #tpu.memory_space<vmem>>) semaphore(%run_scoped3A_173 : memref<!tpu.dma_semaphore, #tpu.memory_space<semaphore_mem>>) {add = true}
        %dma_wait3A_180 = arith.constant 0 : i32
        %dma_wait3A_181 = tpu.memref_slice %arg7[%add3A_132, %dma_wait3A_180] : memref<79x128xi32, #tpu.memory_space<vmem>> -> memref<1x128xi32, #tpu.memory_space<vmem>>
        %dma_wait3A_182 = tpu.memref_squeeze %dma_wait3A_181 : memref<1x128xi32, #tpu.memory_space<vmem>> -> memref<128xi32, #tpu.memory_space<vmem>>
        %dma_wait3A_183 = arith.constant 0 : i32
        %dma_wait3A_184 = arith.constant 0 : i32
        %dma_wait3A_185 = tpu.memref_slice %arg12[%dma_wait3A_183, %dma_wait3A_184] : memref<10240x64xf32, #tpu.memory_space<vmem_shared>> -> memref<10240x64xf32, #tpu.memory_space<vmem_shared>>
        tpu.wait_indirect_dma semaphore(%run_scoped3A_173 : memref<!tpu.dma_semaphore, #tpu.memory_space<semaphore_mem>>) src(%arg9 : memref<128x64xf32, #tpu.memory_space<vmem>>) dst(%dma_wait3A_185 : memref<10240x64xf32, #tpu.memory_space<vmem_shared>>)
        tpu.yield
      }) : () -> ()
      %add3A_133 = arith.constant 2 : i32
      %add3A_134 = arith.addi %mul3A_92, %add3A_133 : i32
      %add3A_135 = arith.constant 3 : i32
      %add3A_136 = arith.addi %add3A_134, %add3A_135 : i32
      %min3A_137 = arith.constant 77 : i32
      %min3A_138 = arith.minsi %add3A_136, %min3A_137 : i32
      %dma_start3A_139 = arith.constant 0 : i32
      %dma_start3A_140 = tpu.memref_slice %arg6[%min3A_138, %dma_start3A_139] : memref<79x128xi32, #tpu.memory_space<vmem>> -> memref<1x128xi32, #tpu.memory_space<vmem>>
      %dma_start3A_141 = tpu.memref_squeeze %dma_start3A_140 : memref<1x128xi32, #tpu.memory_space<vmem>> -> memref<128xi32, #tpu.memory_space<vmem>>
      %dma_start3A_142 = arith.constant 0 : i32
      %dma_start3A_143 = arith.constant 0 : i32
      %dma_start3A_144 = tpu.memref_slice %arg4[%dma_start3A_142, %dma_start3A_143] : memref<10240x64xf32, #tpu.memory_space<hbm>> -> memref<10240x64xf32, #tpu.memory_space<hbm>>
      tpu.enqueue_indirect_dma source(%dma_start3A_144 : memref<10240x64xf32, #tpu.memory_space<hbm>>) target(%arg9 : memref<128x64xf32, #tpu.memory_space<vmem>>) offsets(%dma_start3A_141 : memref<128xi32, #tpu.memory_space<vmem>>) semaphore(%arg14 : memref<!tpu.dma_semaphore, #tpu.memory_space<semaphore_mem>>)
      %dma_wait3A_145 = arith.constant 0 : i32
      %dma_wait3A_146 = tpu.memref_slice %arg6[%mul3A_92, %dma_wait3A_145] : memref<79x128xi32, #tpu.memory_space<vmem>> -> memref<1x128xi32, #tpu.memory_space<vmem>>
      %dma_wait3A_147 = tpu.memref_squeeze %dma_wait3A_146 : memref<1x128xi32, #tpu.memory_space<vmem>> -> memref<128xi32, #tpu.memory_space<vmem>>
      %dma_wait3A_148 = arith.constant 0 : i32
      %dma_wait3A_149 = arith.constant 0 : i32
      %dma_wait3A_150 = tpu.memref_slice %arg4[%dma_wait3A_148, %dma_wait3A_149] : memref<10240x64xf32, #tpu.memory_space<hbm>> -> memref<10240x64xf32, #tpu.memory_space<hbm>>
      tpu.wait_indirect_dma semaphore(%arg15 : memref<!tpu.dma_semaphore, #tpu.memory_space<semaphore_mem>>) src(%dma_wait3A_150 : memref<10240x64xf32, #tpu.memory_space<hbm>>) dst(%arg10 : memref<128x64xf32, #tpu.memory_space<vmem>>)
      %add3A_151 = arith.constant 2 : i32
      %add3A_152 = arith.addi %mul3A_92, %add3A_151 : i32
      "tpu.region"() ({
        %run_scoped3A_173 = tpu.sem_alloc : memref<!tpu.dma_semaphore, #tpu.memory_space<semaphore_mem>>
        %dma_start3A_174 = arith.constant 0 : i32
        %dma_start3A_175 = tpu.memref_slice %arg7[%add3A_152, %dma_start3A_174] : memref<79x128xi32, #tpu.memory_space<vmem>> -> memref<1x128xi32, #tpu.memory_space<vmem>>
        %dma_start3A_176 = tpu.memref_squeeze %dma_start3A_175 : memref<1x128xi32, #tpu.memory_space<vmem>> -> memref<128xi32, #tpu.memory_space<vmem>>
        %dma_start3A_177 = arith.constant 0 : i32
        %dma_start3A_178 = arith.constant 0 : i32
        %dma_start3A_179 = tpu.memref_slice %arg12[%dma_start3A_177, %dma_start3A_178] : memref<10240x64xf32, #tpu.memory_space<vmem_shared>> -> memref<10240x64xf32, #tpu.memory_space<vmem_shared>>
        tpu.enqueue_indirect_dma source(%arg10 : memref<128x64xf32, #tpu.memory_space<vmem>>) target(%dma_start3A_179 : memref<10240x64xf32, #tpu.memory_space<vmem_shared>>) offsets(%dma_start3A_176 : memref<128xi32, #tpu.memory_space<vmem>>) semaphore(%run_scoped3A_173 : memref<!tpu.dma_semaphore, #tpu.memory_space<semaphore_mem>>) {add = true}
        %dma_wait3A_180 = arith.constant 0 : i32
        %dma_wait3A_181 = tpu.memref_slice %arg7[%add3A_152, %dma_wait3A_180] : memref<79x128xi32, #tpu.memory_space<vmem>> -> memref<1x128xi32, #tpu.memory_space<vmem>>
        %dma_wait3A_182 = tpu.memref_squeeze %dma_wait3A_181 : memref<1x128xi32, #tpu.memory_space<vmem>> -> memref<128xi32, #tpu.memory_space<vmem>>
        %dma_wait3A_183 = arith.constant 0 : i32
        %dma_wait3A_184 = arith.constant 0 : i32
        %dma_wait3A_185 = tpu.memref_slice %arg12[%dma_wait3A_183, %dma_wait3A_184] : memref<10240x64xf32, #tpu.memory_space<vmem_shared>> -> memref<10240x64xf32, #tpu.memory_space<vmem_shared>>
        tpu.wait_indirect_dma semaphore(%run_scoped3A_173 : memref<!tpu.dma_semaphore, #tpu.memory_space<semaphore_mem>>) src(%arg10 : memref<128x64xf32, #tpu.memory_space<vmem>>) dst(%dma_wait3A_185 : memref<10240x64xf32, #tpu.memory_space<vmem_shared>>)
        tpu.yield
      }) : () -> ()
      %add3A_153 = arith.constant 3 : i32
      %add3A_154 = arith.addi %mul3A_92, %add3A_153 : i32
      %add3A_155 = arith.constant 3 : i32
      %add3A_156 = arith.addi %add3A_154, %add3A_155 : i32
      %min3A_157 = arith.constant 77 : i32
      %min3A_158 = arith.minsi %add3A_156, %min3A_157 : i32
      %dma_start3A_159 = arith.constant 0 : i32
      %dma_start3A_160 = tpu.memref_slice %arg6[%min3A_158, %dma_start3A_159] : memref<79x128xi32, #tpu.memory_space<vmem>> -> memref<1x128xi32, #tpu.memory_space<vmem>>
      %dma_start3A_161 = tpu.memref_squeeze %dma_start3A_160 : memref<1x128xi32, #tpu.memory_space<vmem>> -> memref<128xi32, #tpu.memory_space<vmem>>
      %dma_start3A_162 = arith.constant 0 : i32
      %dma_start3A_163 = arith.constant 0 : i32
      %dma_start3A_164 = tpu.memref_slice %arg4[%dma_start3A_162, %dma_start3A_163] : memref<10240x64xf32, #tpu.memory_space<hbm>> -> memref<10240x64xf32, #tpu.memory_space<hbm>>
      tpu.enqueue_indirect_dma source(%dma_start3A_164 : memref<10240x64xf32, #tpu.memory_space<hbm>>) target(%arg10 : memref<128x64xf32, #tpu.memory_space<vmem>>) offsets(%dma_start3A_161 : memref<128xi32, #tpu.memory_space<vmem>>) semaphore(%arg15 : memref<!tpu.dma_semaphore, #tpu.memory_space<semaphore_mem>>)
      %dma_wait3A_165 = arith.constant 0 : i32
      %dma_wait3A_166 = tpu.memref_slice %arg6[%mul3A_92, %dma_wait3A_165] : memref<79x128xi32, #tpu.memory_space<vmem>> -> memref<1x128xi32, #tpu.memory_space<vmem>>
      %dma_wait3A_167 = tpu.memref_squeeze %dma_wait3A_166 : memref<1x128xi32, #tpu.memory_space<vmem>> -> memref<128xi32, #tpu.memory_space<vmem>>
      %dma_wait3A_168 = arith.constant 0 : i32
      %dma_wait3A_169 = arith.constant 0 : i32
      %dma_wait3A_170 = tpu.memref_slice %arg4[%dma_wait3A_168, %dma_wait3A_169] : memref<10240x64xf32, #tpu.memory_space<hbm>> -> memref<10240x64xf32, #tpu.memory_space<hbm>>
      tpu.wait_indirect_dma semaphore(%arg16 : memref<!tpu.dma_semaphore, #tpu.memory_space<semaphore_mem>>) src(%dma_wait3A_170 : memref<10240x64xf32, #tpu.memory_space<hbm>>) dst(%arg11 : memref<128x64xf32, #tpu.memory_space<vmem>>)
      %add3A_171 = arith.constant 3 : i32
      %add3A_172 = arith.addi %mul3A_92, %add3A_171 : i32
      "tpu.region"() ({
        %run_scoped3A_173 = tpu.sem_alloc : memref<!tpu.dma_semaphore, #tpu.memory_space<semaphore_mem>>
        %dma_start3A_174 = arith.constant 0 : i32
        %dma_start3A_175 = tpu.memref_slice %arg7[%add3A_172, %dma_start3A_174] : memref<79x128xi32, #tpu.memory_space<vmem>> -> memref<1x128xi32, #tpu.memory_space<vmem>>
        %dma_start3A_176 = tpu.memref_squeeze %dma_start3A_175 : memref<1x128xi32, #tpu.memory_space<vmem>> -> memref<128xi32, #tpu.memory_space<vmem>>
        %dma_start3A_177 = arith.constant 0 : i32
        %dma_start3A_178 = arith.constant 0 : i32
        %dma_start3A_179 = tpu.memref_slice %arg12[%dma_start3A_177, %dma_start3A_178] : memref<10240x64xf32, #tpu.memory_space<vmem_shared>> -> memref<10240x64xf32, #tpu.memory_space<vmem_shared>>
        tpu.enqueue_indirect_dma source(%arg11 : memref<128x64xf32, #tpu.memory_space<vmem>>) target(%dma_start3A_179 : memref<10240x64xf32, #tpu.memory_space<vmem_shared>>) offsets(%dma_start3A_176 : memref<128xi32, #tpu.memory_space<vmem>>) semaphore(%run_scoped3A_173 : memref<!tpu.dma_semaphore, #tpu.memory_space<semaphore_mem>>) {add = true}
        %dma_wait3A_180 = arith.constant 0 : i32
        %dma_wait3A_181 = tpu.memref_slice %arg7[%add3A_172, %dma_wait3A_180] : memref<79x128xi32, #tpu.memory_space<vmem>> -> memref<1x128xi32, #tpu.memory_space<vmem>>
        %dma_wait3A_182 = tpu.memref_squeeze %dma_wait3A_181 : memref<1x128xi32, #tpu.memory_space<vmem>> -> memref<128xi32, #tpu.memory_space<vmem>>
        %dma_wait3A_183 = arith.constant 0 : i32
        %dma_wait3A_184 = arith.constant 0 : i32
        %dma_wait3A_185 = tpu.memref_slice %arg12[%dma_wait3A_183, %dma_wait3A_184] : memref<10240x64xf32, #tpu.memory_space<vmem_shared>> -> memref<10240x64xf32, #tpu.memory_space<vmem_shared>>
        tpu.wait_indirect_dma semaphore(%run_scoped3A_173 : memref<!tpu.dma_semaphore, #tpu.memory_space<semaphore_mem>>) src(%arg11 : memref<128x64xf32, #tpu.memory_space<vmem>>) dst(%dma_wait3A_185 : memref<10240x64xf32, #tpu.memory_space<vmem_shared>>)
        tpu.yield
      }) : () -> ()
    }
    %scan3A_58 = arith.constant 19 : i32
    %dma_wait3A = arith.constant 0 : i32
    %dma_wait3A_59 = arith.constant 0 : i32
    %dma_wait3A_60 = tpu.memref_slice %arg6[%dma_wait3A, %dma_wait3A_59] : memref<79x128xi32, #tpu.memory_space<vmem>> -> memref<1x128xi32, #tpu.memory_space<vmem>>
    %dma_wait3A_61 = tpu.memref_squeeze %dma_wait3A_60 : memref<1x128xi32, #tpu.memory_space<vmem>> -> memref<128xi32, #tpu.memory_space<vmem>>
    %dma_wait3A_62 = arith.constant 0 : i32
    %dma_wait3A_63 = arith.constant 0 : i32
    %dma_wait3A_64 = tpu.memref_slice %arg4[%dma_wait3A_62, %dma_wait3A_63] : memref<10240x64xf32, #tpu.memory_space<hbm>> -> memref<10240x64xf32, #tpu.memory_space<hbm>>
    tpu.wait_indirect_dma semaphore(%arg13 : memref<!tpu.dma_semaphore, #tpu.memory_space<semaphore_mem>>) src(%dma_wait3A_64 : memref<10240x64xf32, #tpu.memory_space<hbm>>) dst(%arg8 : memref<128x64xf32, #tpu.memory_space<vmem>>)
    %run_scoped3A = arith.constant 76 : i32
    "tpu.region"() ({
      %run_scoped3A_90 = tpu.sem_alloc : memref<!tpu.dma_semaphore, #tpu.memory_space<semaphore_mem>>
      %dma_start3A_91 = arith.constant 0 : i32
      %dma_start3A_92 = tpu.memref_slice %arg7[%run_scoped3A, %dma_start3A_91] : memref<79x128xi32, #tpu.memory_space<vmem>> -> memref<1x128xi32, #tpu.memory_space<vmem>>
      %dma_start3A_93 = tpu.memref_squeeze %dma_start3A_92 : memref<1x128xi32, #tpu.memory_space<vmem>> -> memref<128xi32, #tpu.memory_space<vmem>>
      %dma_start3A_94 = arith.constant 0 : i32
      %dma_start3A_95 = arith.constant 0 : i32
      %dma_start3A_96 = tpu.memref_slice %arg12[%dma_start3A_94, %dma_start3A_95] : memref<10240x64xf32, #tpu.memory_space<vmem_shared>> -> memref<10240x64xf32, #tpu.memory_space<vmem_shared>>
      tpu.enqueue_indirect_dma source(%arg8 : memref<128x64xf32, #tpu.memory_space<vmem>>) target(%dma_start3A_96 : memref<10240x64xf32, #tpu.memory_space<vmem_shared>>) offsets(%dma_start3A_93 : memref<128xi32, #tpu.memory_space<vmem>>) semaphore(%run_scoped3A_90 : memref<!tpu.dma_semaphore, #tpu.memory_space<semaphore_mem>>) {add = true}
      %dma_wait3A_97 = arith.constant 0 : i32
      %dma_wait3A_98 = tpu.memref_slice %arg7[%run_scoped3A, %dma_wait3A_97] : memref<79x128xi32, #tpu.memory_space<vmem>> -> memref<1x128xi32, #tpu.memory_space<vmem>>
      %dma_wait3A_99 = tpu.memref_squeeze %dma_wait3A_98 : memref<1x128xi32, #tpu.memory_space<vmem>> -> memref<128xi32, #tpu.memory_space<vmem>>
      %dma_wait3A_100 = arith.constant 0 : i32
      %dma_wait3A_101 = arith.constant 0 : i32
      %dma_wait3A_102 = tpu.memref_slice %arg12[%dma_wait3A_100, %dma_wait3A_101] : memref<10240x64xf32, #tpu.memory_space<vmem_shared>> -> memref<10240x64xf32, #tpu.memory_space<vmem_shared>>
      tpu.wait_indirect_dma semaphore(%run_scoped3A_90 : memref<!tpu.dma_semaphore, #tpu.memory_space<semaphore_mem>>) src(%arg8 : memref<128x64xf32, #tpu.memory_space<vmem>>) dst(%dma_wait3A_102 : memref<10240x64xf32, #tpu.memory_space<vmem_shared>>)
      tpu.yield
    }) : () -> ()
    %dma_wait3A_65 = arith.constant 0 : i32
    %dma_wait3A_66 = arith.constant 0 : i32
    %dma_wait3A_67 = tpu.memref_slice %arg6[%dma_wait3A_65, %dma_wait3A_66] : memref<79x128xi32, #tpu.memory_space<vmem>> -> memref<1x128xi32, #tpu.memory_space<vmem>>
    %dma_wait3A_68 = tpu.memref_squeeze %dma_wait3A_67 : memref<1x128xi32, #tpu.memory_space<vmem>> -> memref<128xi32, #tpu.memory_space<vmem>>
    %dma_wait3A_69 = arith.constant 0 : i32
    %dma_wait3A_70 = arith.constant 0 : i32
    %dma_wait3A_71 = tpu.memref_slice %arg4[%dma_wait3A_69, %dma_wait3A_70] : memref<10240x64xf32, #tpu.memory_space<hbm>> -> memref<10240x64xf32, #tpu.memory_space<hbm>>
    tpu.wait_indirect_dma semaphore(%arg14 : memref<!tpu.dma_semaphore, #tpu.memory_space<semaphore_mem>>) src(%dma_wait3A_71 : memref<10240x64xf32, #tpu.memory_space<hbm>>) dst(%arg9 : memref<128x64xf32, #tpu.memory_space<vmem>>)
    %run_scoped3A_72 = arith.constant 77 : i32
    "tpu.region"() ({
      %run_scoped3A_90 = tpu.sem_alloc : memref<!tpu.dma_semaphore, #tpu.memory_space<semaphore_mem>>
      %dma_start3A_91 = arith.constant 0 : i32
      %dma_start3A_92 = tpu.memref_slice %arg7[%run_scoped3A_72, %dma_start3A_91] : memref<79x128xi32, #tpu.memory_space<vmem>> -> memref<1x128xi32, #tpu.memory_space<vmem>>
      %dma_start3A_93 = tpu.memref_squeeze %dma_start3A_92 : memref<1x128xi32, #tpu.memory_space<vmem>> -> memref<128xi32, #tpu.memory_space<vmem>>
      %dma_start3A_94 = arith.constant 0 : i32
      %dma_start3A_95 = arith.constant 0 : i32
      %dma_start3A_96 = tpu.memref_slice %arg12[%dma_start3A_94, %dma_start3A_95] : memref<10240x64xf32, #tpu.memory_space<vmem_shared>> -> memref<10240x64xf32, #tpu.memory_space<vmem_shared>>
      tpu.enqueue_indirect_dma source(%arg9 : memref<128x64xf32, #tpu.memory_space<vmem>>) target(%dma_start3A_96 : memref<10240x64xf32, #tpu.memory_space<vmem_shared>>) offsets(%dma_start3A_93 : memref<128xi32, #tpu.memory_space<vmem>>) semaphore(%run_scoped3A_90 : memref<!tpu.dma_semaphore, #tpu.memory_space<semaphore_mem>>) {add = true}
      %dma_wait3A_97 = arith.constant 0 : i32
      %dma_wait3A_98 = tpu.memref_slice %arg7[%run_scoped3A_72, %dma_wait3A_97] : memref<79x128xi32, #tpu.memory_space<vmem>> -> memref<1x128xi32, #tpu.memory_space<vmem>>
      %dma_wait3A_99 = tpu.memref_squeeze %dma_wait3A_98 : memref<1x128xi32, #tpu.memory_space<vmem>> -> memref<128xi32, #tpu.memory_space<vmem>>
      %dma_wait3A_100 = arith.constant 0 : i32
      %dma_wait3A_101 = arith.constant 0 : i32
      %dma_wait3A_102 = tpu.memref_slice %arg12[%dma_wait3A_100, %dma_wait3A_101] : memref<10240x64xf32, #tpu.memory_space<vmem_shared>> -> memref<10240x64xf32, #tpu.memory_space<vmem_shared>>
      tpu.wait_indirect_dma semaphore(%run_scoped3A_90 : memref<!tpu.dma_semaphore, #tpu.memory_space<semaphore_mem>>) src(%arg9 : memref<128x64xf32, #tpu.memory_space<vmem>>) dst(%dma_wait3A_102 : memref<10240x64xf32, #tpu.memory_space<vmem_shared>>)
      tpu.yield
    }) : () -> ()
    %dma_wait3A_73 = arith.constant 0 : i32
    %dma_wait3A_74 = arith.constant 0 : i32
    %dma_wait3A_75 = tpu.memref_slice %arg6[%dma_wait3A_73, %dma_wait3A_74] : memref<79x128xi32, #tpu.memory_space<vmem>> -> memref<1x128xi32, #tpu.memory_space<vmem>>
    %dma_wait3A_76 = tpu.memref_squeeze %dma_wait3A_75 : memref<1x128xi32, #tpu.memory_space<vmem>> -> memref<128xi32, #tpu.memory_space<vmem>>
    %dma_wait3A_77 = arith.constant 0 : i32
    %dma_wait3A_78 = arith.constant 0 : i32
    %dma_wait3A_79 = tpu.memref_slice %arg4[%dma_wait3A_77, %dma_wait3A_78] : memref<10240x64xf32, #tpu.memory_space<hbm>> -> memref<10240x64xf32, #tpu.memory_space<hbm>>
    tpu.wait_indirect_dma semaphore(%arg15 : memref<!tpu.dma_semaphore, #tpu.memory_space<semaphore_mem>>) src(%dma_wait3A_79 : memref<10240x64xf32, #tpu.memory_space<hbm>>) dst(%arg10 : memref<128x64xf32, #tpu.memory_space<vmem>>)
    %lt3A_80 = arith.constant 4 : i32
    %lt3A_81 = arith.cmpi slt, %add3A, %lt3A_80 : i32
    %convert_element_type3A_82 = arith.extui %lt3A_81 : i1 to i32
    %cond3A_83 = arith.constant 0 : i32
    %cond3A_84 = arith.cmpi ne, %convert_element_type3A_82, %cond3A_83 : i32
    scf.if %cond3A_84 {
      %dma_start3A_90 = arith.constant 78 : i32
      %dma_start3A_91 = arith.constant 0 : i32
      %dma_start3A_92 = tpu.memref_slice %arg6[%dma_start3A_90, %dma_start3A_91] : memref<79x128xi32, #tpu.memory_space<vmem>> -> memref<1x128xi32, #tpu.memory_space<vmem>>
      %dma_start3A_93 = tpu.memref_squeeze %dma_start3A_92 : memref<1x128xi32, #tpu.memory_space<vmem>> -> memref<128xi32, #tpu.memory_space<vmem>>
      %dma_start3A_94 = arith.constant 0 : i32
      %dma_start3A_95 = arith.constant 0 : i32
      %dma_start3A_96 = tpu.memref_slice %arg4[%dma_start3A_94, %dma_start3A_95] : memref<10240x64xf32, #tpu.memory_space<hbm>> -> memref<10240x64xf32, #tpu.memory_space<hbm>>
      tpu.enqueue_indirect_dma source(%dma_start3A_96 : memref<10240x64xf32, #tpu.memory_space<hbm>>) target(%arg8 : memref<128x64xf32, #tpu.memory_space<vmem>>) offsets(%dma_start3A_93 : memref<128xi32, #tpu.memory_space<vmem>>) semaphore(%arg13 : memref<!tpu.dma_semaphore, #tpu.memory_space<semaphore_mem>>)
      %dma_wait3A_97 = arith.constant 78 : i32
      %dma_wait3A_98 = arith.constant 0 : i32
      %dma_wait3A_99 = tpu.memref_slice %arg6[%dma_wait3A_97, %dma_wait3A_98] : memref<79x128xi32, #tpu.memory_space<vmem>> -> memref<1x128xi32, #tpu.memory_space<vmem>>
      %dma_wait3A_100 = tpu.memref_squeeze %dma_wait3A_99 : memref<1x128xi32, #tpu.memory_space<vmem>> -> memref<128xi32, #tpu.memory_space<vmem>>
      %dma_wait3A_101 = arith.constant 0 : i32
      %dma_wait3A_102 = arith.constant 0 : i32
      %dma_wait3A_103 = tpu.memref_slice %arg4[%dma_wait3A_101, %dma_wait3A_102] : memref<10240x64xf32, #tpu.memory_space<hbm>> -> memref<10240x64xf32, #tpu.memory_space<hbm>>
      tpu.wait_indirect_dma semaphore(%arg13 : memref<!tpu.dma_semaphore, #tpu.memory_space<semaphore_mem>>) src(%dma_wait3A_103 : memref<10240x64xf32, #tpu.memory_space<hbm>>) dst(%arg8 : memref<128x64xf32, #tpu.memory_space<vmem>>)
      %run_scoped3A_104 = arith.constant 78 : i32
      "tpu.region"() ({
        %run_scoped3A_105 = tpu.sem_alloc : memref<!tpu.dma_semaphore, #tpu.memory_space<semaphore_mem>>
        %dma_start3A_106 = arith.constant 0 : i32
        %dma_start3A_107 = tpu.memref_slice %arg7[%run_scoped3A_104, %dma_start3A_106] : memref<79x128xi32, #tpu.memory_space<vmem>> -> memref<1x128xi32, #tpu.memory_space<vmem>>
        %dma_start3A_108 = tpu.memref_squeeze %dma_start3A_107 : memref<1x128xi32, #tpu.memory_space<vmem>> -> memref<128xi32, #tpu.memory_space<vmem>>
        %dma_start3A_109 = arith.constant 0 : i32
        %dma_start3A_110 = arith.constant 0 : i32
        %dma_start3A_111 = tpu.memref_slice %arg12[%dma_start3A_109, %dma_start3A_110] : memref<10240x64xf32, #tpu.memory_space<vmem_shared>> -> memref<10240x64xf32, #tpu.memory_space<vmem_shared>>
        tpu.enqueue_indirect_dma source(%arg8 : memref<128x64xf32, #tpu.memory_space<vmem>>) target(%dma_start3A_111 : memref<10240x64xf32, #tpu.memory_space<vmem_shared>>) offsets(%dma_start3A_108 : memref<128xi32, #tpu.memory_space<vmem>>) semaphore(%run_scoped3A_105 : memref<!tpu.dma_semaphore, #tpu.memory_space<semaphore_mem>>) {add = true}
        %dma_wait3A_112 = arith.constant 0 : i32
        %dma_wait3A_113 = tpu.memref_slice %arg7[%run_scoped3A_104, %dma_wait3A_112] : memref<79x128xi32, #tpu.memory_space<vmem>> -> memref<1x128xi32, #tpu.memory_space<vmem>>
        %dma_wait3A_114 = tpu.memref_squeeze %dma_wait3A_113 : memref<1x128xi32, #tpu.memory_space<vmem>> -> memref<128xi32, #tpu.memory_space<vmem>>
        %dma_wait3A_115 = arith.constant 0 : i32
        %dma_wait3A_116 = arith.constant 0 : i32
        %dma_wait3A_117 = tpu.memref_slice %arg12[%dma_wait3A_115, %dma_wait3A_116] : memref<10240x64xf32, #tpu.memory_space<vmem_shared>> -> memref<10240x64xf32, #tpu.memory_space<vmem_shared>>
        tpu.wait_indirect_dma semaphore(%run_scoped3A_105 : memref<!tpu.dma_semaphore, #tpu.memory_space<semaphore_mem>>) src(%arg8 : memref<128x64xf32, #tpu.memory_space<vmem>>) dst(%dma_wait3A_117 : memref<10240x64xf32, #tpu.memory_space<vmem_shared>>)
        tpu.yield
      }) : () -> ()
    } else {
    }
    %barrier3A_85 = arith.constant 0 : index
    tpu.barrier barrier_id(%barrier3A_85)
    %mul3A_86 = arith.constant 640 : i32
    %mul3A_87 = arith.muli %arg1, %mul3A_86 : i32
    %mul3A_88 = arith.constant 640 : i32
    %mul3A_89 = arith.muli %arg1, %mul3A_88 : i32
    "tpu.region"() ({
      %run_scoped3A_90 = tpu.sem_alloc : memref<!tpu.dma_semaphore, #tpu.memory_space<semaphore_mem>>
      %dma_start3A_91 = arith.constant 0 : i32
      %dma_start3A_92 = tpu.memref_slice %arg5[%arg0, %mul3A_89, %dma_start3A_91] : memref<2x10240x64xf32, #tpu.memory_space<hbm>> -> memref<1x640x64xf32, #tpu.memory_space<hbm>>
      %dma_start3A_93 = tpu.memref_squeeze %dma_start3A_92 : memref<1x640x64xf32, #tpu.memory_space<hbm>> -> memref<640x64xf32, #tpu.memory_space<hbm>>
      %dma_start3A_94 = arith.constant 0 : i32
      %dma_start3A_95 = tpu.memref_slice %arg12[%mul3A_87, %dma_start3A_94] : memref<10240x64xf32, #tpu.memory_space<vmem_shared>> -> memref<640x64xf32, #tpu.memory_space<vmem_shared>>
      tpu.enqueue_dma source(%dma_start3A_95 : memref<640x64xf32, #tpu.memory_space<vmem_shared>>) target(%dma_start3A_93 : memref<640x64xf32, #tpu.memory_space<hbm>>) target_semaphore(%run_scoped3A_90 : memref<!tpu.dma_semaphore, #tpu.memory_space<semaphore_mem>>)
      %dma_wait3A_96 = arith.constant 0 : i32
      %dma_wait3A_97 = tpu.memref_slice %arg5[%arg0, %mul3A_89, %dma_wait3A_96] : memref<2x10240x64xf32, #tpu.memory_space<hbm>> -> memref<1x640x64xf32, #tpu.memory_space<hbm>>
      %dma_wait3A_98 = tpu.memref_squeeze %dma_wait3A_97 : memref<1x640x64xf32, #tpu.memory_space<hbm>> -> memref<640x64xf32, #tpu.memory_space<hbm>>
      %dma_wait3A_99 = arith.constant 0 : i32
      %dma_wait3A_100 = tpu.memref_slice %arg12[%mul3A_87, %dma_wait3A_99] : memref<10240x64xf32, #tpu.memory_space<vmem_shared>> -> memref<640x64xf32, #tpu.memory_space<vmem_shared>>
      tpu.wait_dma2 semaphore(%run_scoped3A_90 : memref<!tpu.dma_semaphore, #tpu.memory_space<semaphore_mem>>) src(%dma_wait3A_100 : memref<640x64xf32, #tpu.memory_space<vmem_shared>>) dst(%dma_wait3A_98 : memref<640x64xf32, #tpu.memory_space<hbm>>)
      tpu.yield
    }) : () -> ()
    return
  }
}

module attributes {stable_mosaic.version = 14 : i64} {
  func.func @_enc_body(%arg0: i32, %arg1: memref<2560x128xf32, #tpu.memory_space<vmem>>, %arg2: memref<128x64xf32, #tpu.memory_space<vmem>>, %arg3: memref<2560x64xf32, #tpu.memory_space<vmem>>) attributes {dimension_semantics = [#tpu.dimension_semantics<arbitrary>], iteration_bounds = array<i64: 4>, scalar_prefetch = 0 : i64, scratch_operands = 0 : i64, tpu.core_type = #tpu.core_type<tc>, window_params = [{transform_indices = @transform_0, window_bounds = array<i64: 2560, 128>}, {pipeline_mode = #tpu.pipeline_mode<synchronous>, transform_indices = @transform_1, window_bounds = array<i64: 128, 64>}, {transform_indices = @transform_2, window_bounds = array<i64: 2560, 64>}]} {
    %get3A = arith.constant 0 : index
    %get3A_0 = arith.constant 0 : index
    %get3A_1 = vector.load %arg1[%get3A, %get3A_0] : memref<2560x128xf32, #tpu.memory_space<vmem>>, vector<2560x128xf32>
    %convert_element_type3A = arith.truncf %get3A_1 : vector<2560x128xf32> to vector<2560x128xbf16>
    %get3A_2 = arith.constant 0 : index
    %get3A_3 = arith.constant 0 : index
    %get3A_4 = vector.load %arg2[%get3A_2, %get3A_3] : memref<128x64xf32, #tpu.memory_space<vmem>>, vector<128x64xf32>
    %convert_element_type3A_5 = arith.truncf %get3A_4 : vector<128x64xf32> to vector<128x64xbf16>
    %dot_general3A = arith.constant dense<0.000000e+00> : vector<2560x64xf32>
    %dot_general3A_6 = tpu.matmul %convert_element_type3A, %convert_element_type3A_5, %dot_general3A {dimension_numbers = #tpu.dot_dimension_numbers<[1], [0], [0], [1], [0, 0, 1, 1], [], []>, transpose_lhs_hint = false} : vector<2560x128xbf16>, vector<128x64xbf16>, vector<2560x64xf32> -> vector<2560x64xf32>
    %swap3A = arith.constant 0 : index
    %swap3A_7 = arith.constant 0 : index
    %swap3A_8 = vector.load %arg3[%swap3A, %swap3A_7] : memref<2560x64xf32, #tpu.memory_space<vmem>>, vector<2560x64xf32>
    tpu.vector_store %arg3[%swap3A, %swap3A_7], %dot_general3A_6 {strides = array<i32>} : memref<2560x64xf32, #tpu.memory_space<vmem>>, vector<2560x64xf32>,
    return
  }
  func.func @transform_0(%arg0: i32) -> (i32, i32) {
    %c0_i32 = arith.constant 0 : i32
    %c0_i32_0 = arith.constant 0 : i32
    return %arg0, %c0_i32 : i32, i32
  }
  func.func @transform_1(%arg0: i32) -> (i32, i32) {
    %c0_i32 = arith.constant 0 : i32
    %c0_i32_0 = arith.constant 0 : i32
    %c0_i32_1 = arith.constant 0 : i32
    return %c0_i32, %c0_i32_0 : i32, i32
  }
  func.func @transform_2(%arg0: i32) -> (i32, i32) {
    %c0_i32 = arith.constant 0 : i32
    %c0_i32_0 = arith.constant 0 : i32
    return %arg0, %c0_i32 : i32, i32
  }
}

module attributes {stable_mosaic.version = 14 : i64} {
  func.func @_dec_body(%arg0: i32, %arg1: memref<2560x128xf32, #tpu.memory_space<vmem>>, %arg2: memref<1x2560x64xf32, #tpu.memory_space<vmem>>, %arg3: memref<1x2560x64xf32, #tpu.memory_space<vmem>>, %arg4: memref<128x64xf32, #tpu.memory_space<vmem>>, %arg5: memref<1x64xf32, #tpu.memory_space<vmem>>, %arg6: memref<64x128xf32, #tpu.memory_space<vmem>>, %arg7: memref<1x128xf32, #tpu.memory_space<vmem>>, %arg8: memref<2560x128xf32, #tpu.memory_space<vmem>>) attributes {dimension_semantics = [#tpu.dimension_semantics<arbitrary>], iteration_bounds = array<i64: 4>, scalar_prefetch = 0 : i64, scratch_operands = 0 : i64, tpu.core_type = #tpu.core_type<tc>, window_params = [{transform_indices = @transform_0, window_bounds = array<i64: 2560, 128>}, {transform_indices = @transform_1, window_bounds = array<i64: 1, 2560, 64>}, {transform_indices = @transform_2, window_bounds = array<i64: 1, 2560, 64>}, {pipeline_mode = #tpu.pipeline_mode<synchronous>, transform_indices = @transform_3, window_bounds = array<i64: 128, 64>}, {pipeline_mode = #tpu.pipeline_mode<synchronous>, transform_indices = @transform_4, window_bounds = array<i64: 1, 64>}, {pipeline_mode = #tpu.pipeline_mode<synchronous>, transform_indices = @transform_5, window_bounds = array<i64: 64, 128>}, {pipeline_mode = #tpu.pipeline_mode<synchronous>, transform_indices = @transform_6, window_bounds = array<i64: 1, 128>}, {transform_indices = @transform_7, window_bounds = array<i64: 2560, 128>}]} {
    %get3A = arith.constant 0 : index
    %get3A_0 = arith.constant 0 : index
    %get3A_1 = arith.constant 0 : index
    %get3A_2 = vector.load %arg2[%get3A, %get3A_0, %get3A_1] : memref<1x2560x64xf32, #tpu.memory_space<vmem>>, vector<1x2560x64xf32>
    %get3A_3 = vector.shape_cast %get3A_2 : vector<1x2560x64xf32> to vector<2560x64xf32>
    %get3A_4 = arith.constant 0 : index
    %get3A_5 = arith.constant 0 : index
    %get3A_6 = arith.constant 0 : index
    %get3A_7 = vector.load %arg3[%get3A_4, %get3A_5, %get3A_6] : memref<1x2560x64xf32, #tpu.memory_space<vmem>>, vector<1x2560x64xf32>
    %get3A_8 = vector.shape_cast %get3A_7 : vector<1x2560x64xf32> to vector<2560x64xf32>
    %add3A = arith.addf %get3A_3, %get3A_8 : vector<2560x64xf32>
    %get3A_9 = arith.constant 0 : index
    %get3A_10 = arith.constant 0 : index
    %get3A_11 = vector.load %arg1[%get3A_9, %get3A_10] : memref<2560x128xf32, #tpu.memory_space<vmem>>, vector<2560x128xf32>
    %convert_element_type3A = arith.truncf %get3A_11 : vector<2560x128xf32> to vector<2560x128xbf16>
    %get3A_12 = arith.constant 0 : index
    %get3A_13 = arith.constant 0 : index
    %get3A_14 = vector.load %arg4[%get3A_12, %get3A_13] : memref<128x64xf32, #tpu.memory_space<vmem>>, vector<128x64xf32>
    %convert_element_type3A_15 = arith.truncf %get3A_14 : vector<128x64xf32> to vector<128x64xbf16>
    %dot_general3A = arith.constant dense<0.000000e+00> : vector<2560x64xf32>
    %dot_general3A_16 = tpu.matmul %convert_element_type3A, %convert_element_type3A_15, %dot_general3A {dimension_numbers = #tpu.dot_dimension_numbers<[1], [0], [0], [1], [0, 0, 1, 1], [], []>, transpose_lhs_hint = false} : vector<2560x128xbf16>, vector<128x64xbf16>, vector<2560x64xf32> -> vector<2560x64xf32>
    %add3A_17 = arith.addf %dot_general3A_16, %add3A : vector<2560x64xf32>
    %get3A_18 = arith.constant 0 : index
    %get3A_19 = arith.constant 0 : index
    %get3A_20 = vector.load %arg5[%get3A_18, %get3A_19] : memref<1x64xf32, #tpu.memory_space<vmem>>, vector<1x64xf32>
    %add3A_21 = vector.broadcast %get3A_20 : vector<1x64xf32> to vector<2560x64xf32>
    %add3A_22 = arith.addf %add3A_17, %add3A_21 : vector<2560x64xf32>
    %max3A = arith.constant 0.000000e+00 : f32
    %max3A_23 = vector.broadcast %max3A : f32 to vector<2560x64xf32>
    %max3A_24 = arith.maximumf %add3A_22, %max3A_23 : vector<2560x64xf32>
    %convert_element_type3A_25 = arith.truncf %max3A_24 : vector<2560x64xf32> to vector<2560x64xbf16>
    %get3A_26 = arith.constant 0 : index
    %get3A_27 = arith.constant 0 : index
    %get3A_28 = vector.load %arg6[%get3A_26, %get3A_27] : memref<64x128xf32, #tpu.memory_space<vmem>>, vector<64x128xf32>
    %convert_element_type3A_29 = arith.truncf %get3A_28 : vector<64x128xf32> to vector<64x128xbf16>
    %dot_general3A_30 = arith.constant dense<0.000000e+00> : vector<2560x128xf32>
    %dot_general3A_31 = tpu.matmul %convert_element_type3A_25, %convert_element_type3A_29, %dot_general3A_30 {dimension_numbers = #tpu.dot_dimension_numbers<[1], [0], [0], [1], [0, 0, 1, 1], [], []>, transpose_lhs_hint = false} : vector<2560x64xbf16>, vector<64x128xbf16>, vector<2560x128xf32> -> vector<2560x128xf32>
    %get3A_32 = arith.constant 0 : index
    %get3A_33 = arith.constant 0 : index
    %get3A_34 = vector.load %arg7[%get3A_32, %get3A_33] : memref<1x128xf32, #tpu.memory_space<vmem>>, vector<1x128xf32>
    %add3A_35 = vector.broadcast %get3A_34 : vector<1x128xf32> to vector<2560x128xf32>
    %add3A_36 = arith.addf %dot_general3A_31, %add3A_35 : vector<2560x128xf32>
    %swap3A = arith.constant 0 : index
    %swap3A_37 = arith.constant 0 : index
    %swap3A_38 = vector.load %arg8[%swap3A, %swap3A_37] : memref<2560x128xf32, #tpu.memory_space<vmem>>, vector<2560x128xf32>
    tpu.vector_store %arg8[%swap3A, %swap3A_37], %add3A_36 {strides = array<i32>} : memref<2560x128xf32, #tpu.memory_space<vmem>>, vector<2560x128xf32>,
    return
  }
  func.func @transform_0(%arg0: i32) -> (i32, i32) {
    %c0_i32 = arith.constant 0 : i32
    %c0_i32_0 = arith.constant 0 : i32
    return %arg0, %c0_i32 : i32, i32
  }
  func.func @transform_1(%arg0: i32) -> (i32, i32, i32) {
    %c0_i32 = arith.constant 0 : i32
    %c0_i32_0 = arith.constant 0 : i32
    %c0_i32_1 = arith.constant 0 : i32
    return %c0_i32, %arg0, %c0_i32_0 : i32, i32, i32
  }
  func.func @transform_2(%arg0: i32) -> (i32, i32, i32) {
    %c1_i32 = arith.constant 1 : i32
    %c0_i32 = arith.constant 0 : i32
    %c0_i32_0 = arith.constant 0 : i32
    return %c1_i32, %arg0, %c0_i32 : i32, i32, i32
  }
  func.func @transform_3(%arg0: i32) -> (i32, i32) {
    %c0_i32 = arith.constant 0 : i32
    %c0_i32_0 = arith.constant 0 : i32
    %c0_i32_1 = arith.constant 0 : i32
    return %c0_i32, %c0_i32_0 : i32, i32
  }
  func.func @transform_4(%arg0: i32) -> (i32, i32) {
    %c0_i32 = arith.constant 0 : i32
    %c0_i32_0 = arith.constant 0 : i32
    %c0_i32_1 = arith.constant 0 : i32
    return %c0_i32, %c0_i32_0 : i32, i32
  }
  func.func @transform_5(%arg0: i32) -> (i32, i32) {
    %c0_i32 = arith.constant 0 : i32
    %c0_i32_0 = arith.constant 0 : i32
    %c0_i32_1 = arith.constant 0 : i32
    return %c0_i32, %c0_i32_0 : i32, i32
  }
  func.func @transform_6(%arg0: i32) -> (i32, i32) {
    %c0_i32 = arith.constant 0 : i32
    %c0_i32_0 = arith.constant 0 : i32
    %c0_i32_1 = arith.constant 0 : i32
    return %c0_i32, %c0_i32_0 : i32, i32
  }
  func.func @transform_7(%arg0: i32) -> (i32, i32) {
    %c0_i32 = arith.constant 0 : i32
    %c0_i32_0 = arith.constant 0 : i32
    return %arg0, %c0_i32 : i32, i32
  }
}

</mosaic_0001>

<sc_bundles>
// kernel: _forward.5.cloned.1.call-start
scs
__scs_entry_jumppad:
0x0: {  	(pc) =	sbr.rel $0x88, $3  }
0x1: {  	(tag) =	ssettag $0x0;
	lr =	simm.s32 $0x1  }
0x2: {  	[smem:$0x3F9A] =	sst lr;
	_ =	strace $0xD0000000  }
0x3: {  	_ = 	snop  }
0x4: {  	_ = 	snop  }
0x5: {  	_ = 	snop  }
0x6: {  	_ = 	snop  }
0x7: {  	_ = 	snop  }
__scs_overlays_trampoline_lowered:
0x8: {  	[smem:$0x3FA9] =	sst s0  }
0x9: {  	[smem:$0x3FAA] =	sst s1  }
0xa: {  	[smem:$0x3FAB] =	sst s2  }
0xb: {  	[smem:$0x3FAC] =	sst s3  }
0xc: {  	[smem:$0x3FAD] =	sst s4  }
0xd: {  	[smem:$0x3FAE] =	sst s5  }
0xe: {  	[smem:$0x3FAF] =	sst s6  }
0xf: {  	[smem:$0x3FB0] =	sst s7  }
0x10: {  	[smem:$0x3FB1] =	sst s8  }
0x11: {  	[smem:$0x3FB2] =	sst s9;
	s0 =	simm.s32 @!p0 $0x0  }
0x12: {  	s1 =	sld [smem:$0x3F98];
	s0 =	simm.s32 @p0 $0x1  }
0x13: {  	[smem:$0x3FB3] =	sst s0;
	s0 =	simm.s32 @!p1 $0x0  }
0x14: {  	s2 =	sld [smem:$0x3F97];
	s0 =	simm.s32 @p1 $0x1  }
0x15: {  	[smem:$0x3FB4] =	sst s0;
	s0 =	simm.s32 @!p2 $0x0  }
0x16: {  	s3 =	sld [smem:$0x3FDB];
	s0 =	simm.s32 @p2 $0x1  }
0x17: {  	s4 =	simm.s32 $0x1BF5;
	[smem:$0x3FB6] =	sst s0  }
0x18: {  	s0 =	sld [smem:$0x3F99];
	_ =	swait.ge [sflag:s4], $0x0  }
0x19: {  	s7 =	sld [smem:$0x3F9A]  }
0x1a: {  	s8 =	sadd.s32 $0xFFFFE003, lr  }
0x1b: {  	s9 =	sadd.s32 $0xFFFFFEF7, lr;
	s5 =	simm.s32 $0xFFFFFFFF;
	p2 =	slt.u32 s8, $0xFFFFF086  }
0x1c: {  	p1 =	slt.u32 s9, $0xF7A;
	s5 =	simm.s32 @!p2 $0x0  }
0x1d: {  	s5 =	simm.s32 @p1 $0x1;
	p0 =	seq.s32 s7, s2  }
0x1e: {  	s7 =	smul.u32 @!p0 $0xF7A, s2;
	p2 =	seq.s32 @!p0 s5, $0x0  }
0x1f: {  	s9 =	smul.u32 $0xF7A, s1;
	s8 =	simm.s32 @!p0 $0x1BF5;
	p2 =	por !p2, p0  }
0x20: {  	[sflag:s8] =	ssyncset.s32 @!p0 $0xFFFFF086;
	s6 =	sadd.s32 @!p0 s3, s7;
	s7 =	simm.s32 @!p0 $0x108  }
0x21: {  	s3 =	sadd.s32 s3, s9;
	s6 =	sadd.s32 @!p0 $0x88, s6;
	s7 =	simm.s32 @p2 $0x1082  }
0x22: {  	[simem:s7], [sflag:s8] =	dma.local @!p0 [hbm:s6], $0xF7A  }
0x23: {  	s9 =	sor.u32 $0xD0000000, s2;
	s6 =	simm.s32 $0x108;
	_ =	swait.ge @!p0 [sflag:s8], $0x0  }
0x24: {  	s3 =	sadd.s32 $0x88, s3;
	s6 =	simm.s32 @!p1 $0x1082;
	[sflag:s4] =	ssyncset.s32 $0xFFFFF086  }
0x25: {  	[simem:s6], [sflag:s4] =	dma.local [hbm:s3], $0xF7A  }
0x26: {  	[smem:$0x3F9A] =	sst s1;
	(tag) =	ssettag s2;
	_ =	strace s9  }
0x27: {  	s1 =	sld [smem:$0x3FAA]  }
0x28: {  	s2 =	sld [smem:$0x3FAB]  }
0x29: {  	s4 =	sld [smem:$0x3FAD]  }
0x2a: {  	p0 =	seq.s32 s5, $0x0;
	s5 =	sld [smem:$0x3FAE]  }
0x2b: {  	s6 =	sld [smem:$0x3FAF]  }
0x2c: {  	s7 =	sld [smem:$0x3FB0]  }
0x2d: {  	s3 =	simm.s32 $0x108;
	s8 =	sld [smem:$0x3FB1]  }
0x2e: {  	s3 =	simm.s32 @!p0 $0x1082;
	s9 =	sld [smem:$0x3FB2]  }
0x2f: {  	lr =	sadd.s32 s0, s3;
	s0 =	sld [smem:$0x3FA9]  }
0x30: {  	s3 =	sld [smem:$0x3FAC]  }
0x31: {  	[smem:$0x3FB5] =	sst s10  }
0x32: {  	s10 =	sld [smem:$0x3FB3];
	_ =	sdelay $0x3  }
0x33: {  	p0 =	seq.s32 s10, $0x1;
	s10 =	sld [smem:$0x3FB5];
	_ =	sdelay $0x3  }
0x34: {  	[smem:$0x3FB5] =	sst s10  }
0x35: {  	s10 =	sld [smem:$0x3FB4];
	_ =	sdelay $0x3  }
0x36: {  	p1 =	seq.s32 s10, $0x1;
	s10 =	sld [smem:$0x3FB5];
	_ =	sdelay $0x3  }
0x37: {  	[smem:$0x3FB5] =	sst s10  }
0x38: {  	s10 =	sld [smem:$0x3FB6]  }
0x39: {  	_ = 	snop;
	(pc) =	sbr.ind lr, $3  }
0x3a: {  	_ = 	snop  }
0x3b: {  	_ = 	snop  }
0x3c: {  	p2 =	seq.s32 s10, $0x1;
	s10 =	sld [smem:$0x3FB5]  }
0x3d: {  	_ =	shalt  }
0x3e: {  	_ =	shalt  }
0x3f: {  	_ =	shalt  }
0x40: {  	_ =	shalt  }
0x41: {  	_ =	shalt  }
0x42: {  	_ =	shalt  }
0x43: {  	_ =	shalt  }
0x44: {  	_ =	shalt  }
0x45: {  	_ =	shalt  }
0x46: {  	_ =	shalt  }
0x47: {  	_ =	shalt  }
0x48: {  	_ =	shalt  }
0x49: {  	_ =	shalt  }
0x4a: {  	_ =	shalt  }
0x4b: {  	_ =	shalt  }
0x4c: {  	_ =	shalt  }
0x4d: {  	_ =	shalt  }
0x4e: {  	_ =	shalt  }
0x4f: {  	_ =	shalt  }
0x50: {  	_ =	shalt  }
0x51: {  	_ =	shalt  }
0x52: {  	_ =	shalt  }
0x53: {  	_ =	shalt  }
0x54: {  	_ =	shalt  }
0x55: {  	_ =	shalt  }
0x56: {  	_ =	shalt  }
0x57: {  	_ =	shalt  }
0x58: {  	_ =	shalt  }
0x59: {  	_ =	shalt  }
0x5a: {  	_ =	shalt  }
0x5b: {  	_ =	shalt  }
0x5c: {  	_ =	shalt  }
0x5d: {  	_ =	shalt  }
0x5e: {  	_ =	shalt  }
0x5f: {  	_ =	shalt  }
0x60: {  	_ =	shalt  }
0x61: {  	_ =	shalt  }
0x62: {  	_ =	shalt  }
0x63: {  	_ =	shalt  }
0x64: {  	_ =	shalt  }
0x65: {  	_ =	shalt  }
0x66: {  	_ =	shalt  }
0x67: {  	_ =	shalt  }
0x68: {  	_ =	shalt  }
0x69: {  	_ =	shalt  }
0x6a: {  	_ =	shalt  }
0x6b: {  	_ =	shalt  }
0x6c: {  	_ =	shalt  }
0x6d: {  	_ =	shalt  }
0x6e: {  	_ =	shalt  }
0x6f: {  	_ =	shalt  }
0x70: {  	_ =	shalt  }
0x71: {  	_ =	shalt  }
0x72: {  	_ =	shalt  }
0x73: {  	_ =	shalt  }
0x74: {  	_ =	shalt  }
0x75: {  	_ =	shalt  }
0x76: {  	_ =	shalt  }
0x77: {  	_ =	shalt  }
0x78: {  	_ =	shalt  }
0x79: {  	_ =	shalt  }
0x7a: {  	_ =	shalt  }
0x7b: {  	_ =	shalt  }
0x7c: {  	_ =	shalt  }
0x7d: {  	_ =	shalt  }
0x7e: {  	_ =	shalt  }
0x7f: {  	_ =	shalt  }
0x80: {  	_ =	shalt  }
0x81: {  	_ =	shalt  }
0x82: {  	_ =	shalt  }
0x83: {  	_ =	shalt  }
0x84: {  	_ =	shalt  }
0x85: {  	_ =	shalt  }
0x86: {  	_ =	shalt  }
0x87: {  	_ =	shalt  }
.Lfunc_end0:
.L_simem_size_0:
called_computation_lowered:
.L_overlay_start_0:
0x88: {  	s2 =	sld [smem:$0x3FD9]  }
0x89: {  	s3 =	sld [smem:$0x3FFE];
	_ =	sdelay $0x1  }
0x8a: {  	s1 =	srdreg.scid  }
0x8b: {  	s0 =	sand.u32 $0x1, s1  }
0x8c: {  	s17 =	sshll.u32 s0, $0xA;
	s2 =	sadd.s32 s3, s2  }
0x8d: {  	s2 =	sadd.s32 s2, s17  }
0x8e: {  	[smem:$0x3FC1] =	sst s2  }
0x8f: {  	_ = 	snop  }
0x90: {  	s2 =	sld [smem:$0x3FD0];
	(tm) =	ssettm $0x1  }
0x91: {  	s18 =	sld [smem:$0x3FFB];
	_ =	sdelay $0x3  }
0x92: {  	_ =	strace s18  }
0x93: {  	s3 =	sld [smem:$0x3FFC];
	_ =	sdelay $0x3  }
0x94: {  	_ =	strace s3  }
0x95: {  	s3 =	sld [smem:$0x3FFD];
	_ =	sdelay $0x3  }
0x96: {  	_ =	strace s3  }
0x97: {  	_ =	strace $0x8FFFFFFF  }
0x98: {  	s19 =	sld [smem:$0x3FDB];
	_ =	sdelay $0x1  }
0x99: {  	s4 =	simm.s32 $_scs_section_size  }
0x9a: {  	s5 =	simm.s32 $_size__tile_overlayer_lowered;
	s6 =	simm.s32 $_tile_overlayer_lowered  }
0x9b: {  	s22 =	simm.s32 $0x1BFF;
	s21 =	sshll.u32 s6, $0x1;
	s3 =	sadd.s32 s4, s19  }
0x9c: {  	s7 =	simm.s32 $0x0;
	s20 =	sshll.u32 s5, $0x1;
	s5 =	sadd.s32 s21, s3  }
0x9d: {  	[timem:s7], [sflag:s22] =	dma.local [hbm:s5], s20  }
0x9e: {  	_ =	swait.ge [sflag:s22], s20  }
0x9f: {  	s4 =	ssub.s32 $0x0, s20;
	[sflag:s22] =	ssyncset.done $0x0  }
0xa0: {  	[sflag:s22] =	ssyncadd.s32 s4;
	_ =	sdelay $0x1  }
0xa1: {  	s23 =	simm.s32 $0x1B8B  }
0xa2: {  	_ =	swait.ge [sflag:s23], $0x1  }
0xa3: {  	[sflag:s23] =	ssyncset.done $0x0  }
0xa4: {  	s25 =	simm.s32 $0x1B8E;
	s24 =	sld [smem:$0x3FFE];
	[sflag:s23] =	ssyncadd.s32 $0xFFFFFFFF  }
0xa5: {  	s26 =	simm.s32 $execute0_lowered;
	[smem:$0x3FD2] =	sst s25  }
0xa6: {  	s5 =	sshll.u32 s26, $0x1;
	_ =	strace $0x80000046;
	[dreg:$0x1] =	wrdreg $0xFFFFFFFF  }
0xa7: {  	s28 =	simm.s32 $_size_execute0_lowered;
	s3 =	sadd.s32 s3, s5;
	[dreg:$0x0] =	wrdreg $0x0  }
0xa8: {  	s5 =	sshll.u32 s28, $0x1;
	[dreg:$0x2] =	wrdreg s3  }
0xa9: {  	[dreg:$0x3] =	wrdreg s5  }
0xaa: {  	[dreg:$0x4] =	wrdreg $0xC0  }
0xab: {  	_ =	task [dreg:s7], $0x5FFFF  }
0xac: {  	[dreg:$0x1] =	wrdreg $0xFFFFFFFF  }
0xad: {  	[dreg:$0x0] =	wrdreg $0x60  }
0xae: {  	[dreg:$0x2] =	wrdreg s24  }
0xaf: {  	[dreg:$0x3] =	wrdreg s2  }
0xb0: {  	[dreg:$0x4] =	wrdreg $0xCF000  }
0xb1: {  	[dreg:$0x5] =	wrdreg $0x9  }
0xb2: {  	_ =	task.clear_ibuf [dreg:s7], $0x6FFFF;
	_ =	strace $0x90000046  }
0xb3: {  	s29 =	simm.s32 $0x9;
	_ =	strace $0x80000048  }
0xb4: {  	_ =	swait.ge [sflag:s29], $0x1  }
0xb5: {  	[sflag:s29] =	ssyncadd.s32 $0xFFFFFFFF  }
0xb6: {  	_ =	strace $0x90000048  }
0xb7: {  	_ =	sfence  }
0xb8: {  	s30 =	sld [smem:$0x0];
	_ =	sdelay $0x2  }
0xb9: {  	s31 =	sshll.u32 s1, $0xD;
	s1 =	sshrl.u32 s1, $0x2  }
0xba: {  	s3 =	sand.u32 $0x4000, s31;
	s1 =	sadd.s32 s1, s30  }
0xbb: {  	s0 =	sor.u32 s3, s0;
	s1 =	sshll.u32 s1, $0x11  }
0xbc: {  	s0 =	sor.u32 s1, s0  }
0xbd: {  	s0 =	sadd.s32 $0x8F2B, s0  }
0xbe: {  	[sflag:s0] =	ssyncadd.remote.s32 $0x1  }
0xbf: {  	_ =	sfence.sel $0xFFFF  }
0xc0: {  	[dreg:$0x0] =	wrdreg $0xFFFFFFFF;
	(pc) =	sbr.abs _section_cstart, $3  }
0xc1: {  	[dreg:$0x1] =	wrdreg $0xFFFFFFFF  }
0xc2: {  	_ =	task.clear_ibuf [dreg:s7], $0x2FFFF;
	_ =	strace $0x9FFFFFFF  }
0xc3: {  	(tm) =	ssettm $0x7FFFFFFF  }
tec
execute0_lowered:
.L_overlay_start_1:
0x0: {  	(tag) =	ssettag $0x1  }
0x1: {  	s0 =	rddreg [dreg:$0x0]  }
0x2: {  	s2 =	rddreg [dreg:$0x1];
	s1 =	srdreg.scid  }
0x3: {  	s16 =	stileid.u32;
	s3 =	rddreg [dreg:$0x2]  }
0x4: {  	s4 =	simm.s32 $0x0;
	s17 =	simm.s32 $0x5;
	s19 =	simm.s32 $0x80  }
0x5: {  	s20 =	simm.s32 $0x6F00;
	s22 =	simm.s32 $0x8F00;
	s23 =	simm.s32 $0xAF00  }
0x6: {  	s24 =	simm.s32 $0x1;
	s25 =	simm.s32 $0x2;
	s26 =	simm.s32 $0x3  }
0x7: {  	s28 =	simm.s32 $0x4;
	s18 =	simm.s32 $0x2680;
	s31 =	simm.s32 $0x0  }
0x8: {  	s1 =	sand.u32 $0x1, s1;
	s5 =	smul.u32 $0xA000, s16;
	[smem:$0x7FF] =	sst s4  }
0x9: {  	s12 =	sadd.s32 $0xA400, s0;
	s13 =	sadd.s32 $0x600, s0;
	s8 =	sshll.u32 s16, $0x1  }
0xa: {  	s9 =	smul.u32 $0x28000, s16;
	p0 =	sgt.u32 s16, $0x1;
	s16 =	simm.s32 $0x4F00  }
0xb: {  	s6 =	smul.u32 $0xA0000, s1;
	_ =	strace $0x80000047;
	s7 =	ssub.s32 $0x2, s1  }
0xc: {  	s1 =	sor.u32 s1, s8;
	s29 =	sshrl.u32 s7, $0x1;
	s30 =	sshrl.u32 s9, $0x2  }
0xd: {  	s8 =	smul.u32 $0x4E, s1;
	s1 =	smin.u32 s1, $0x4;
	s6 =	sadd.s32 s5, s6  }
0xe: {  	s15 =	ssub.s32 s7, s29;
	s5 =	sadd.s32 s5, s3;
	s9 =	sadd.s32 s30, s3  }
0xf: {  	s6 =	sshrl.u32 s6, $0x3;
	s7 =	sadd.s32 $0x4000, s9;
	s1 =	sadd.s32 s1, s8  }
0x10: {  	s8 =	sadd.s32 $0x6000, s9;
	s15 =	smax.u32 s15, $0x1;
	s0 =	sadd.s32 s6, s0  }
0x11: {  	s6 =	sadd.s32 $0x2000, s9;
	s9 =	sadd.s32 $0x8000, s9;
	s1 =	sshll.u32 s1, $0x4  }
0x12: {  	s10 =	sadd.s32 s12, s1;
	s11 =	sadd.s32 s13, s1;
	s1 =	sadd.s32 $0x4E0, s1  }
0x13: {  	v0 =	vimm.f32 $0.0e+00;
	s14 =	sadd.s32 $0x14200, s0;
	s12 =	sadd.s32 s12, s1;
	s13 =	sadd.s32 s13, s1  }
.LBB2_1:
0x14: {  	s1 =	simm.s32 $0x100;
	s0 =	simm.s32 $0x0  }
.LBB2_2:
0x15: {  	p1 =	sne.s32 s1, $0x7F00;
	[tilespmem:s0+$0x4F30] =	vst v0;
	s21 =	smov.u32 s1;
	s1 =	sadd.s32 $0x100, s1  }
.Ltmp0:
0x16: {  	[tilespmem:s0+$0x4F20] =	vst v0;
	(pc) =	sbr.rel @p1 .LBB2_2-.Ltmp0, $3  }
0x17: {  	[tilespmem:s0+$0x4F00] =	vst v0  }
0x18: {  	[tilespmem:s0+$0x4F10] =	vst v0;
	_ =	sdelay $0x1  }
0x19: {  	s0 =	sshra.s32 s21, $0x2  }
0x1a: {  	[tilespmem:s0+$0x4F30] =	vst v0  }
0x1b: {  	[tilespmem:s0+$0x4F20] =	vst v0  }
0x1c: {  	[tilespmem:s0+$0x4F00] =	vst v0  }
0x1d: {  	[tilespmem:s0+$0x4F10] =	vst v0  }
0x1e: {  	[spmem:s5] =	stream.linear.scatter [tilespmem:s16], [sflag:$0x5], $0x2000, $0x38;
	[tilespmem:$0x16F00] =	vst v63  }
0x1f: {  	_ =	swait.ge [sflag:s17], $0x2000  }
0x20: {  	[sflag:s17] =	ssyncset.done $0x0  }
0x21: {  	[sflag:s17] =	ssyncadd.s32 $0xFFFFE000  }
0x22: {  	[spmem:s6] =	stream.linear.scatter [tilespmem:s16], [sflag:$0x5], $0x2000, $0x38;
	[tilespmem:$0x16F00] =	vst v63  }
0x23: {  	_ =	swait.ge [sflag:s17], $0x2000  }
0x24: {  	[sflag:s17] =	ssyncset.done $0x0  }
0x25: {  	[sflag:s17] =	ssyncadd.s32 $0xFFFFE000  }
0x26: {  	[spmem:s7] =	stream.linear.scatter [tilespmem:s16], [sflag:$0x5], $0x2000, $0x38;
	[tilespmem:$0x16F00] =	vst v63  }
0x27: {  	_ =	swait.ge [sflag:s17], $0x2000  }
0x28: {  	[sflag:s17] =	ssyncset.done $0x0  }
0x29: {  	[sflag:s17] =	ssyncadd.s32 $0xFFFFE000  }
0x2a: {  	[spmem:s8] =	stream.linear.scatter [tilespmem:s16], [sflag:$0x5], $0x2000, $0x38;
	[tilespmem:$0x16F00] =	vst v63  }
0x2b: {  	_ =	swait.ge [sflag:s17], $0x2000  }
0x2c: {  	[sflag:s17] =	ssyncset.done $0x0  }
0x2d: {  	[sflag:s17] =	ssyncadd.s32 $0xFFFFE000  }
0x2e: {  	[spmem:s9] =	stream.linear.scatter [tilespmem:s16], [sflag:$0x5], $0x2000, $0x38;
	[tilespmem:$0x16F00] =	vst v63  }
0x2f: {  	_ =	swait.ge [sflag:s17], $0x2000  }
0x30: {  	[sflag:s17] =	ssyncset.done $0x0  }
0x31: {  	[sflag:s17] =	ssyncadd.s32 $0xFFFFE000  }
0x32: {  	[tilespmem:s4], [sflag:$0x5] =	stream.linear.gather [hbm4b:s10+s4], $0x2700, $0x38;
	[tilespmem:$0x16F00] =	vst v63  }
0x33: {  	_ =	swait.ge [sflag:s17], $0x2700  }
0x34: {  	[sflag:s17] =	ssyncset.done $0x0  }
0x35: {  	s21 =	simm.s32 $0x2780;
	[sflag:s17] =	ssyncadd.s32 $0xFFFFD900  }
0x36: {  	[tilespmem:s21], [sflag:$0x5] =	stream.linear.gather [hbm4b:s11+s4], $0x2700, $0x38;
	[tilespmem:$0x16F00] =	vst v63  }
0x37: {  	_ =	swait.ge [sflag:s17], $0x2700  }
0x38: {  	[sflag:s17] =	ssyncset.done $0x0  }
0x39: {  	s0 =	simm.s32 @!p0 $0x0;
	s1 =	simm.s32 @!p0 $0x2700;
	[sflag:s17] =	ssyncadd.s32 $0xFFFFD900  }
0x3a: {  	[tilespmem:s1], [sflag:$0x5] =	stream.linear.gather @!p0 [hbm4b:s12+s0], $0x80, $0x38;
	[tilespmem:$0x16F00] =	vst v63  }
0x3b: {  	s1 =	simm.s32 @!p0 $0x5  }
0x3c: {  	_ =	swait.ge @!p0 [sflag:s1], $0x80  }
0x3d: {  	[sflag:s1] =	ssyncset.done @!p0 $0x0  }
0x3e: {  	s21 =	simm.s32 @!p0 $0x4E80;
	[sflag:s1] =	ssyncadd.s32 @!p0 $0xFFFFFF80  }
0x3f: {  	[tilespmem:s21], [sflag:$0x5] =	stream.linear.gather @!p0 [hbm4b:s13+s0], $0x80, $0x38;
	[tilespmem:$0x16F00] =	vst v63  }
0x40: {  	_ =	swait.ge @!p0 [sflag:s1], $0x80  }
0x41: {  	[sflag:s1] =	ssyncset.done @!p0 $0x0  }
0x42: {  	[sflag:s1] =	ssyncadd.s32 @!p0 $0xFFFFFF80  }
0x43: {  	s29 =	simm.s32 $0x0;
	[bflag:$0x0] =	sbarrier.arrive $0xFFFF  }
0x44: {  	[tilespmem:s16], [sflag:$0x1] =	stream.indirect.gather [hbm4b:s2+s19], $0x40, s29, s19, $0xb8;
	[tilespmem:$0x16F00] =	vst v63  }
0x45: {  	_ = 	snop  }
0x46: {  	[tilespmem:s20], [sflag:$0x2] =	stream.indirect.gather [hbm4b:s2+s19], $0x40, s19, s19, $0xb8;
	[tilespmem:$0x16F00] =	vst v63  }
0x47: {  	s30 =	simm.s32 $0x100  }
0x48: {  	[tilespmem:s22], [sflag:$0x3] =	stream.indirect.gather [hbm4b:s2+s19], $0x40, s30, s19, $0xb8;
	[tilespmem:$0x16F00] =	vst v63  }
0x49: {  	s1 =	simm.s32 $0x180  }
0x4a: {  	[tilespmem:s23], [sflag:$0x4] =	stream.indirect.gather [hbm4b:s2+s19], $0x40, s1, s19, $0xb8;
	[tilespmem:$0x16F00] =	vst v63  }
0x4b: {  	_ =	swait.ge [sflag:s24], $0x2000  }
0x4c: {  	[sflag:s24] =	ssyncset.done $0x0  }
0x4d: {  	s21 =	simm.s32 $0x2780;
	[sflag:s24] =	ssyncadd.s32 $0xFFFFE000  }
0x4e: {  	[spmem:s3] =	stream.indirect.scatter.add.f32 [tilespmem:s16], [sflag:$0x5], $0x40, s21, s19, $0xb8;
	[tilespmem:$0x16F00] =	vst v63  }
0x4f: {  	_ =	swait.ge [sflag:s17], $0x2000  }
0x50: {  	[sflag:s17] =	ssyncset.done $0x0  }
0x51: {  	s29 =	simm.s32 $0x200;
	[sflag:s17] =	ssyncadd.s32 $0xFFFFE000  }
0x52: {  	[tilespmem:s16], [sflag:$0x1] =	stream.indirect.gather [hbm4b:s2+s19], $0x40, s29, s19, $0xb8;
	[tilespmem:$0x16F00] =	vst v63  }
0x53: {  	_ =	swait.ge [sflag:s25], $0x2000  }
0x54: {  	[sflag:s25] =	ssyncset.done $0x0  }
0x55: {  	s30 =	simm.s32 $0x2800;
	[sflag:s25] =	ssyncadd.s32 $0xFFFFE000  }
0x56: {  	[spmem:s3] =	stream.indirect.scatter.add.f32 [tilespmem:s20], [sflag:$0x5], $0x40, s30, s19, $0xb8;
	[tilespmem:$0x16F00] =	vst v63  }
0x57: {  	_ =	swait.ge [sflag:s17], $0x2000  }
0x58: {  	[sflag:s17] =	ssyncset.done $0x0  }
0x59: {  	s1 =	simm.s32 $0x280;
	[sflag:s17] =	ssyncadd.s32 $0xFFFFE000  }
0x5a: {  	[tilespmem:s20], [sflag:$0x2] =	stream.indirect.gather [hbm4b:s2+s19], $0x40, s1, s19, $0xb8;
	[tilespmem:$0x16F00] =	vst v63  }
0x5b: {  	_ =	swait.ge [sflag:s26], $0x2000  }
0x5c: {  	[sflag:s26] =	ssyncset.done $0x0  }
0x5d: {  	s21 =	simm.s32 $0x2880;
	[sflag:s26] =	ssyncadd.s32 $0xFFFFE000  }
0x5e: {  	[spmem:s3] =	stream.indirect.scatter.add.f32 [tilespmem:s22], [sflag:$0x5], $0x40, s21, s19, $0xb8;
	[tilespmem:$0x16F00] =	vst v63  }
0x5f: {  	_ =	swait.ge [sflag:s17], $0x2000  }
0x60: {  	[sflag:s17] =	ssyncset.done $0x0  }
0x61: {  	s29 =	simm.s32 $0x300;
	[sflag:s17] =	ssyncadd.s32 $0xFFFFE000  }
0x62: {  	[tilespmem:s22], [sflag:$0x3] =	stream.indirect.gather [hbm4b:s2+s19], $0x40, s29, s19, $0xb8;
	[tilespmem:$0x16F00] =	vst v63  }
0x63: {  	_ =	swait.ge [sflag:s28], $0x2000  }
0x64: {  	[sflag:s28] =	ssyncset.done $0x0  }
0x65: {  	s30 =	simm.s32 $0x2900;
	[sflag:s28] =	ssyncadd.s32 $0xFFFFE000  }
0x66: {  	[spmem:s3] =	stream.indirect.scatter.add.f32 [tilespmem:s23], [sflag:$0x5], $0x40, s30, s19, $0xb8;
	[tilespmem:$0x16F00] =	vst v63  }
0x67: {  	_ =	swait.ge [sflag:s17], $0x2000  }
0x68: {  	s1 =	simm.s32 $0x200;
	s21 =	simm.s32 $0x1000;
	[sflag:s17] =	ssyncset.done $0x0  }
.LBB2_4:
0x69: {  	s30 =	sadd.s32 $0x180, s1  }
0x6a: {  	[sflag:s17] =	ssyncadd.s32 $0xFFFFE000;
	s0 =	smov.u32 s21;
	s29 =	sadd.s32 $0x800, s21  }
0x6b: {  	[tilespmem:s23], [sflag:$0x4] =	stream.indirect.gather [hbm4b:s2+s19], $0x40, s30, s19, $0xb8;
	[tilespmem:$0x16F00] =	vst v63  }
0x6c: {  	p1 =	sne.s32 s21, $0x8800;
	_ =	swait.ge [sflag:s24], $0x2000  }
0x6d: {  	[sflag:s24] =	ssyncset.done $0x0  }
0x6e: {  	s21 =	sadd.s32 $0x2780, s1;
	[sflag:s24] =	ssyncadd.s32 $0xFFFFE000  }
0x6f: {  	[spmem:s3] =	stream.indirect.scatter.add.f32 [tilespmem:s16], [sflag:$0x5], $0x40, s21, s19, $0xb8;
	[tilespmem:$0x16F00] =	vst v63  }
0x70: {  	_ =	swait.ge [sflag:s17], $0x2000  }
0x71: {  	[sflag:s17] =	ssyncset.done $0x0  }
0x72: {  	s21 =	sadd.s32 $0x200, s1;
	[sflag:s17] =	ssyncadd.s32 $0xFFFFE000  }
0x73: {  	[tilespmem:s16], [sflag:$0x1] =	stream.indirect.gather [hbm4b:s2+s19], $0x40, s21, s19, $0xb8;
	[tilespmem:$0x16F00] =	vst v63  }
0x74: {  	_ =	swait.ge [sflag:s25], $0x2000  }
0x75: {  	[sflag:s25] =	ssyncset.done $0x0  }
0x76: {  	s21 =	sadd.s32 $0x2800, s1;
	[sflag:s25] =	ssyncadd.s32 $0xFFFFE000  }
0x77: {  	[spmem:s3] =	stream.indirect.scatter.add.f32 [tilespmem:s20], [sflag:$0x5], $0x40, s21, s19, $0xb8;
	[tilespmem:$0x16F00] =	vst v63  }
0x78: {  	_ =	swait.ge [sflag:s17], $0x2000  }
0x79: {  	[sflag:s17] =	ssyncset.done $0x0  }
0x7a: {  	s21 =	sadd.s32 $0x280, s1;
	[sflag:s17] =	ssyncadd.s32 $0xFFFFE000  }
0x7b: {  	[tilespmem:s20], [sflag:$0x2] =	stream.indirect.gather [hbm4b:s2+s19], $0x40, s21, s19, $0xb8;
	[tilespmem:$0x16F00] =	vst v63  }
0x7c: {  	_ =	swait.ge [sflag:s26], $0x2000  }
0x7d: {  	[sflag:s26] =	ssyncset.done $0x0  }
0x7e: {  	s21 =	sadd.s32 $0x2880, s1;
	[sflag:s26] =	ssyncadd.s32 $0xFFFFE000  }
0x7f: {  	[spmem:s3] =	stream.indirect.scatter.add.f32 [tilespmem:s22], [sflag:$0x5], $0x40, s21, s19, $0xb8;
	[tilespmem:$0x16F00] =	vst v63  }
0x80: {  	_ =	swait.ge [sflag:s17], $0x2000  }
0x81: {  	[sflag:s17] =	ssyncset.done $0x0  }
0x82: {  	s21 =	sadd.s32 $0x300, s1;
	[sflag:s17] =	ssyncadd.s32 $0xFFFFE000  }
0x83: {  	[tilespmem:s22], [sflag:$0x3] =	stream.indirect.gather [hbm4b:s2+s19], $0x40, s21, s19, $0xb8;
	[tilespmem:$0x16F00] =	vst v63  }
0x84: {  	_ =	swait.ge [sflag:s28], $0x2000  }
.Ltmp1:
0x85: {  	[sflag:s28] =	ssyncset.done $0x0;
	(pc) =	sbr.rel @p1 .LBB2_4-.Ltmp1, $4  }
0x86: {  	s1 =	sadd.s32 $0x2900, s1;
	[sflag:s28] =	ssyncadd.s32 $0xFFFFE000  }
0x87: {  	[spmem:s3] =	stream.indirect.scatter.add.f32 [tilespmem:s23], [sflag:$0x5], $0x40, s1, s19, $0xb8;
	[tilespmem:$0x16F00] =	vst v63  }
0x88: {  	_ =	swait.ge [sflag:s17], $0x2000  }
0x89: {  	s21 =	smov.u32 s29;
	s1 =	sshra.s32 s0, $0x2;
	[sflag:s17] =	ssyncset.done $0x0  }
0x8a: {  	s0 =	sadd.s32 $0x180, s1;
	[sflag:s17] =	ssyncadd.s32 $0xFFFFE000  }
0x8b: {  	[tilespmem:s23], [sflag:$0x4] =	stream.indirect.gather [hbm4b:s2+s19], $0x40, s0, s19, $0xb8;
	[tilespmem:$0x16F00] =	vst v63  }
0x8c: {  	_ =	swait.ge [sflag:s24], $0x2000  }
0x8d: {  	[sflag:s24] =	ssyncset.done $0x0  }
0x8e: {  	s21 =	sadd.s32 $0x2780, s1;
	[sflag:s24] =	ssyncadd.s32 $0xFFFFE000  }
0x8f: {  	[spmem:s3] =	stream.indirect.scatter.add.f32 [tilespmem:s16], [sflag:$0x5], $0x40, s21, s19, $0xb8;
	[tilespmem:$0x16F00] =	vst v63  }
0x90: {  	_ =	swait.ge [sflag:s17], $0x2000  }
0x91: {  	[sflag:s17] =	ssyncset.done $0x0  }
0x92: {  	s29 =	sadd.s32 $0x200, s1;
	[sflag:s17] =	ssyncadd.s32 $0xFFFFE000  }
0x93: {  	[tilespmem:s16], [sflag:$0x1] =	stream.indirect.gather [hbm4b:s2+s19], $0x40, s29, s19, $0xb8;
	[tilespmem:$0x16F00] =	vst v63  }
0x94: {  	_ =	swait.ge [sflag:s25], $0x2000  }
0x95: {  	[sflag:s25] =	ssyncset.done $0x0  }
0x96: {  	s30 =	sadd.s32 $0x2800, s1;
	[sflag:s25] =	ssyncadd.s32 $0xFFFFE000  }
0x97: {  	[spmem:s3] =	stream.indirect.scatter.add.f32 [tilespmem:s20], [sflag:$0x5], $0x40, s30, s19, $0xb8;
	[tilespmem:$0x16F00] =	vst v63  }
0x98: {  	_ =	swait.ge [sflag:s17], $0x2000  }
0x99: {  	[sflag:s17] =	ssyncset.done $0x0  }
0x9a: {  	s21 =	sadd.s32 $0x280, s1;
	[sflag:s17] =	ssyncadd.s32 $0xFFFFE000  }
0x9b: {  	[tilespmem:s20], [sflag:$0x2] =	stream.indirect.gather [hbm4b:s2+s19], $0x40, s21, s19, $0xb8;
	[tilespmem:$0x16F00] =	vst v63  }
0x9c: {  	_ =	swait.ge [sflag:s26], $0x2000  }
0x9d: {  	[sflag:s26] =	ssyncset.done $0x0  }
0x9e: {  	s29 =	sadd.s32 $0x2880, s1;
	[sflag:s26] =	ssyncadd.s32 $0xFFFFE000  }
0x9f: {  	[spmem:s3] =	stream.indirect.scatter.add.f32 [tilespmem:s22], [sflag:$0x5], $0x40, s29, s19, $0xb8;
	[tilespmem:$0x16F00] =	vst v63  }
0xa0: {  	_ =	swait.ge [sflag:s17], $0x2000  }
0xa1: {  	[sflag:s17] =	ssyncset.done $0x0  }
0xa2: {  	s30 =	sadd.s32 $0x300, s1;
	[sflag:s17] =	ssyncadd.s32 $0xFFFFE000  }
0xa3: {  	[tilespmem:s22], [sflag:$0x3] =	stream.indirect.gather [hbm4b:s2+s19], $0x40, s30, s19, $0xb8;
	[tilespmem:$0x16F00] =	vst v63  }
0xa4: {  	_ =	swait.ge [sflag:s28], $0x2000  }
0xa5: {  	[sflag:s28] =	ssyncset.done $0x0  }
0xa6: {  	s21 =	sadd.s32 $0x2900, s1;
	[sflag:s28] =	ssyncadd.s32 $0xFFFFE000  }
0xa7: {  	[spmem:s3] =	stream.indirect.scatter.add.f32 [tilespmem:s23], [sflag:$0x5], $0x40, s21, s19, $0xb8;
	[tilespmem:$0x16F00] =	vst v63  }
0xa8: {  	_ =	swait.ge [sflag:s17], $0x2000  }
0xa9: {  	[sflag:s17] =	ssyncset.done $0x0  }
0xaa: {  	s29 =	simm.s32 $0x2580;
	[sflag:s17] =	ssyncadd.s32 $0xFFFFE000  }
0xab: {  	[tilespmem:s23], [sflag:$0x4] =	stream.indirect.gather [hbm4b:s2+s19], $0x40, s29, s19, $0xb8;
	[tilespmem:$0x16F00] =	vst v63  }
0xac: {  	_ =	swait.ge [sflag:s24], $0x2000  }
0xad: {  	[sflag:s24] =	ssyncset.done $0x0  }
0xae: {  	s30 =	simm.s32 $0x4B80;
	[sflag:s24] =	ssyncadd.s32 $0xFFFFE000  }
0xaf: {  	[spmem:s3] =	stream.indirect.scatter.add.f32 [tilespmem:s16], [sflag:$0x5], $0x40, s30, s19, $0xb8;
	[tilespmem:$0x16F00] =	vst v63  }
0xb0: {  	_ =	swait.ge [sflag:s17], $0x2000  }
0xb1: {  	[sflag:s17] =	ssyncset.done $0x0  }
0xb2: {  	s1 =	simm.s32 $0x2600;
	[sflag:s17] =	ssyncadd.s32 $0xFFFFE000  }
0xb3: {  	[tilespmem:s16], [sflag:$0x1] =	stream.indirect.gather [hbm4b:s2+s19], $0x40, s1, s19, $0xb8;
	[tilespmem:$0x16F00] =	vst v63  }
0xb4: {  	_ =	swait.ge [sflag:s25], $0x2000  }
0xb5: {  	[sflag:s25] =	ssyncset.done $0x0  }
0xb6: {  	s21 =	simm.s32 $0x4C00;
	[sflag:s25] =	ssyncadd.s32 $0xFFFFE000  }
0xb7: {  	[spmem:s3] =	stream.indirect.scatter.add.f32 [tilespmem:s20], [sflag:$0x5], $0x40, s21, s19, $0xb8;
	[tilespmem:$0x16F00] =	vst v63  }
0xb8: {  	_ =	swait.ge [sflag:s17], $0x2000  }
0xb9: {  	[sflag:s17] =	ssyncset.done $0x0  }
0xba: {  	[sflag:s17] =	ssyncadd.s32 $0xFFFFE000  }
0xbb: {  	[tilespmem:s20], [sflag:$0x2] =	stream.indirect.gather [hbm4b:s2+s19], $0x40, s18, s19, $0xb8;
	[tilespmem:$0x16F00] =	vst v63  }
0xbc: {  	_ =	swait.ge [sflag:s26], $0x2000  }
0xbd: {  	[sflag:s26] =	ssyncset.done $0x0  }
0xbe: {  	s29 =	simm.s32 $0x4C80;
	[sflag:s26] =	ssyncadd.s32 $0xFFFFE000  }
0xbf: {  	[spmem:s3] =	stream.indirect.scatter.add.f32 [tilespmem:s22], [sflag:$0x5], $0x40, s29, s19, $0xb8;
	[tilespmem:$0x16F00] =	vst v63  }
0xc0: {  	_ =	swait.ge [sflag:s17], $0x2000  }
0xc1: {  	[sflag:s17] =	ssyncset.done $0x0  }
0xc2: {  	[sflag:s17] =	ssyncadd.s32 $0xFFFFE000  }
0xc3: {  	[tilespmem:s22], [sflag:$0x3] =	stream.indirect.gather [hbm4b:s2+s19], $0x40, s18, s19, $0xb8;
	[tilespmem:$0x16F00] =	vst v63  }
0xc4: {  	_ =	swait.ge [sflag:s28], $0x2000  }
0xc5: {  	[sflag:s28] =	ssyncset.done $0x0  }
0xc6: {  	s30 =	simm.s32 $0x4D00;
	[sflag:s28] =	ssyncadd.s32 $0xFFFFE000  }
0xc7: {  	[spmem:s3] =	stream.indirect.scatter.add.f32 [tilespmem:s23], [sflag:$0x5], $0x40, s30, s19, $0xb8;
	[tilespmem:$0x16F00] =	vst v63  }
0xc8: {  	_ =	swait.ge [sflag:s17], $0x2000  }
0xc9: {  	[sflag:s17] =	ssyncset.done $0x0  }
0xca: {  	[sflag:s17] =	ssyncadd.s32 $0xFFFFE000  }
0xcb: {  	_ =	swait.ge [sflag:s24], $0x2000  }
0xcc: {  	[sflag:s24] =	ssyncset.done $0x0  }
0xcd: {  	s1 =	simm.s32 $0x4D80;
	[sflag:s24] =	ssyncadd.s32 $0xFFFFE000  }
0xce: {  	[spmem:s3] =	stream.indirect.scatter.add.f32 [tilespmem:s16], [sflag:$0x5], $0x40, s1, s19, $0xb8;
	[tilespmem:$0x16F00] =	vst v63  }
0xcf: {  	_ =	swait.ge [sflag:s17], $0x2000  }
0xd0: {  	[sflag:s17] =	ssyncset.done $0x0  }
0xd1: {  	[sflag:s17] =	ssyncadd.s32 $0xFFFFE000  }
0xd2: {  	_ =	swait.ge [sflag:s25], $0x2000  }
0xd3: {  	[sflag:s25] =	ssyncset.done $0x0  }
0xd4: {  	s21 =	simm.s32 $0x4E00;
	[sflag:s25] =	ssyncadd.s32 $0xFFFFE000  }
0xd5: {  	[spmem:s3] =	stream.indirect.scatter.add.f32 [tilespmem:s20], [sflag:$0x5], $0x40, s21, s19, $0xb8;
	[tilespmem:$0x16F00] =	vst v63  }
0xd6: {  	_ =	swait.ge [sflag:s17], $0x2000  }
0xd7: {  	[sflag:s17] =	ssyncset.done $0x0  }
0xd8: {  	[sflag:s17] =	ssyncadd.s32 $0xFFFFE000  }
0xd9: {  	_ =	swait.ge [sflag:s26], $0x2000  }
0xda: {  	s0 =	simm.s32 @!p0 $0x80;
	[sflag:s26] =	ssyncset.done $0x0  }
0xdb: {  	s1 =	simm.s32 @!p0 $0x2700;
	s21 =	simm.s32 @!p0 $0x4F00;
	[sflag:s26] =	ssyncadd.s32 $0xFFFFE000  }
0xdc: {  	[tilespmem:s21], [sflag:$0x1] =	stream.indirect.gather @!p0 [hbm4b:s2+s0], $0x40, s1, s0, $0xb8;
	[tilespmem:$0x16F00] =	vst v63  }
0xdd: {  	s1 =	simm.s32 @!p0 $0x1  }
0xde: {  	_ =	swait.ge @!p0 [sflag:s1], $0x2000  }
0xdf: {  	[sflag:s1] =	ssyncset.done @!p0 $0x0  }
0xe0: {  	[sflag:s1] =	ssyncadd.s32 @!p0 $0xFFFFE000;
	s1 =	simm.s32 @!p0 $0x4E80  }
0xe1: {  	[spmem:s3] =	stream.indirect.scatter.add.f32 @!p0 [tilespmem:s21], [sflag:$0x5], $0x40, s1, s0, $0xb8;
	[tilespmem:$0x16F00] =	vst v63  }
0xe2: {  	s0 =	simm.s32 @!p0 $0x5  }
0xe3: {  	s31 =	sadd.s32 $0x1, s31;
	_ =	swait.ge @!p0 [sflag:s0], $0x2000  }
0xe4: {  	p1 =	sne.s32 s31, s15;
	s29 =	stileid.u32;
	[sflag:s0] =	ssyncset.done @!p0 $0x0  }
0xe5: {  	s30 =	sshrl.u32 s5, $0x3;
	[sflag:s0] =	ssyncadd.s32 @!p0 $0xFFFFE000;
	s0 =	sshll.u32 s29, $0x6  }
.Ltmp2:
0xe6: {  	[bflag:$0x0] =	sbarrier.arrive $0xFFFF;
	s0 =	sor.u32 $0x1C05, s0;
	(pc) =	sbr.rel @p1 .LBB2_1-.Ltmp2, $4  }
0xe7: {  	[hbm:s14], [sflag:s0] =	dma.local [spmem:s30], $0x1400  }
0xe8: {  	_ =	swait.ge [sflag:s17], $0x1400  }
0xe9: {  	[sflag:s17] =	ssyncset.done $0x0  }
0xea: {  	[sflag:s17] =	ssyncadd.s32 $0xFFFFEC00  }
0xeb: {  	_ =	sfence.sel $0x180000  }
0xec: {  	[bflag:$0x0] =	sbarrier.arrive $0xFFFF  }
0xed: {  	_ =	strace $0x90000047  }
0xee: {  	s0 =	stileid.u32;
	[bflag:$0x2] =	sbarrier.arrive $0xFFFF  }
0xef: {  	p0 =	sne.s32 s0, $0x0;
	s0 =	rddreg [dreg:$0x3]  }
0xf0: {  	s0 =	sadd.s32 @!p0 $0x100000, s0  }
0xf1: {  	[sflag:s0] =	ssyncadd.tile.s32 @!p0 $0x1;
	_ =	shalt  }
.Lfunc_end2:
_tile_overlayer_lowered:
.L_overlay_start_2:
0xf2: {  	(tag) =	ssettag $0x2  }
0xf3: {  	s0 =	rddreg [dreg:$0x0];
	s2 =	stileid.u32  }
0xf4: {  	s1 =	rddreg [dreg:$0x1];
	p0 =	sne.s32 s2, $0x0  }
0xf5: {  	s3 =	rddreg [dreg:$0x2];
	[bflag:$0x3] =	sbarrier.arrive $0xFFFF;
	s2 =	simm.s32 @!p0 $0x1C05  }
0xf6: {  	[timem:s3], [sflag:s2] =	dma.local @!p0 [hbm:s0], s1  }
0xf7: {  	s0 =	simm.s32 @!p0 $0x5  }
0xf8: {  	_ =	swait.ge @!p0 [sflag:s0], s1  }
0xf9: {  	s1 =	ssub.s32 @!p0 $0x0, s1;
	[sflag:s0] =	ssyncset.done @!p0 $0x0  }
0xfa: {  	[sflag:s0] =	ssyncadd.s32 @!p0 s1  }
0xfb: {  	[bflag:$0x3] =	sbarrier.arrive $0xFFFF  }
0xfc: {  	_ =	shalt  }

</sc_bundles>
